<compile_context>
chip_gen: v7x
topology: tpu7x:2x2x1
jax: 0.10.2.dev20260603
libtpu: 0.0.44.dev20260713+nightly
codegen_flags: <defaults>
</compile_context>

<pallas_src>
import functools

import jax
import jax.numpy as jnp
from jax import lax
from jax.experimental import pallas as pl
from jax.experimental.pallas import tpu as pltpu
from jax.experimental.pallas import tpu_sc as plsc

B_ROWS = 4096
COLS = 26
D = 128
NC = 2
NS = 16
NW = NC * NS
RPW = B_ROWS // NW
NBUF = 7
LAG = 3
MAIN = (COLS // NBUF) * NBUF

_mesh = plsc.VectorSubcoreMesh(core_axis_name="c", subcore_axis_name="s")


@functools.partial(
    pl.kernel,
    mesh=_mesh,
    out_type=jax.ShapeDtypeStruct((COLS, B_ROWS, D), jnp.float32),
    scratch_types=[
        pltpu.VMEM((COLS, RPW), jnp.int32),
        pltpu.VMEM((NBUF, RPW, D), jnp.float32),
    ]
    + [pltpu.SemaphoreType.DMA] * (2 * NBUF),
    compiler_params=pltpu.CompilerParams(use_tc_tiling_on_sc=True),
)
def _gather(table_hbm, idx_hbm, out_hbm, idx_v, rows_v, *sems):
    gsem = sems[:NBUF]
    ssem = sems[NBUF:]
    wid = lax.axis_index("s") * NC + lax.axis_index("c")
    b0 = wid * RPW
    pltpu.sync_copy(idx_hbm.at[wid], idx_v)

    def gather_start(j, b):
        pltpu.async_copy(table_hbm.at[idx_v.at[j]], rows_v.at[b], gsem[b])

    def gather_wait(j, b):
        pltpu.make_async_copy(
            table_hbm.at[idx_v.at[j]], rows_v.at[b], gsem[b]
        ).wait()

    def store_start(j, b):
        pltpu.async_copy(rows_v.at[b], out_hbm.at[j, pl.ds(b0, RPW)], ssem[b])

    def store_wait(j, b):
        pltpu.make_async_copy(
            rows_v.at[b], out_hbm.at[j, pl.ds(b0, RPW)], ssem[b]
        ).wait()

    def block(j, b):
        gather_wait(j, b)
        store_start(j, b)
        bl = (b - LAG) % NBUF

        @pl.when(j >= LAG)
        def _():
            jl = j - LAG
            store_wait(jl, bl)

            @pl.when(jl + NBUF <= COLS - 1)
            def _():
                gather_start(jl + NBUF, bl)

    for b in range(NBUF):
        gather_start(b, b)

    def body(i, carry):
        for b in range(NBUF):
            block(i * NBUF + b, b)
        return carry

    lax.fori_loop(0, MAIN // NBUF, body, 0)
    for j in range(MAIN, COLS):
        block(j, j % NBUF)
    for j in range(COLS - LAG, COLS):
        store_wait(j, j % NBUF)


def kernel(x, table):
    idx = x.reshape(NW, RPW, COLS).transpose(0, 2, 1).astype(jnp.int32)
    out = _gather(table, idx)
    return jnp.transpose(out, (1, 0, 2))

# --- scband reference (transcript-rebuilt; emitter-appended) ---
"""Pipeline reference for scband-continuous-embedding-5050881540376 (READ-ONLY COPY).

The authoritative reference and input builder live on the scoring server;
editing this copy changes nothing except your own understanding.
"""

import jax, jax.numpy as jnp
import numpy as np

CONTINUOUS_SIZE = 100000
EMBEDDING_SIZE = 128

def setup_inputs(seed: int = 0) -> dict:
    key = jax.random.key(seed)
    k_idx, k_tab = jax.random.split(key)
    x = jax.random.randint(k_idx, (4096, 26), 0, CONTINUOUS_SIZE, dtype=jnp.int64 if jax.config.jax_enable_x64 else jnp.int32)
    table = jax.random.normal(k_tab, (CONTINUOUS_SIZE, EMBEDDING_SIZE), dtype=jnp.float32)
    return {"x": x, "table": table}

def reference(x, table):
    # nn.Embedding forward: row gather from the embedding table
    return jnp.take(table, x, axis=0)

if __name__ == "__main__":
    import jax
    _d = setup_inputs()
    print(jax.jit(kernel)(*tuple(_d.values())))

</pallas_src>

<mosaic_0001>
#map = affine_map<(d0, d1) -> (0, 0)>
#map1 = affine_map<(d0, d1) -> (0, 0, 0)>
module attributes {stable_mosaic.version = 14 : i64} {
  func.func @_gather(%arg0: i32, %arg1: i32, %arg2: memref<100000x128xf32, #tpu.memory_space<hbm>>, %arg3: memref<32x26x128xi32, #tpu.memory_space<hbm>>, %arg4: memref<26x4096x128xf32, #tpu.memory_space<hbm>>, %arg5: memref<26x128xi32, #tpu.memory_space<vmem>>, %arg6: memref<7x128x128xf32, #tpu.memory_space<vmem>>, %arg7: memref<!tpu.dma_semaphore, #tpu.memory_space<semaphore_mem>>, %arg8: memref<!tpu.dma_semaphore, #tpu.memory_space<semaphore_mem>>, %arg9: memref<!tpu.dma_semaphore, #tpu.memory_space<semaphore_mem>>, %arg10: memref<!tpu.dma_semaphore, #tpu.memory_space<semaphore_mem>>, %arg11: memref<!tpu.dma_semaphore, #tpu.memory_space<semaphore_mem>>, %arg12: memref<!tpu.dma_semaphore, #tpu.memory_space<semaphore_mem>>, %arg13: memref<!tpu.dma_semaphore, #tpu.memory_space<semaphore_mem>>, %arg14: memref<!tpu.dma_semaphore, #tpu.memory_space<semaphore_mem>>, %arg15: memref<!tpu.dma_semaphore, #tpu.memory_space<semaphore_mem>>, %arg16: memref<!tpu.dma_semaphore, #tpu.memory_space<semaphore_mem>>, %arg17: memref<!tpu.dma_semaphore, #tpu.memory_space<semaphore_mem>>, %arg18: memref<!tpu.dma_semaphore, #tpu.memory_space<semaphore_mem>>, %arg19: memref<!tpu.dma_semaphore, #tpu.memory_space<semaphore_mem>>, %arg20: memref<!tpu.dma_semaphore, #tpu.memory_space<semaphore_mem>>) attributes {dimension_semantics = [#tpu.dimension_semantics<core_parallel>, #tpu.dimension_semantics<subcore_parallel>], iteration_bounds = array<i64: 2, 16>, scalar_prefetch = 0 : i64, scratch_operands = 16 : i64, tpu.core_type = #tpu.core_type<sc_vector_subcore>, window_params = [{transform_indices = #map}, {transform_indices = #map1}, {transform_indices = #map1}]} {
    %mul3A = arith.constant 2 : i32
    %mul3A_0 = arith.muli %arg1, %mul3A : i32
    %add3A = arith.addi %mul3A_0, %arg0 : i32
    %mul3A_1 = arith.constant 128 : i32
    %mul3A_2 = arith.muli %add3A, %mul3A_1 : i32
    "tpu.region"() ({
      %run_scoped3A = tpu.sem_alloc : memref<!tpu.dma_semaphore, #tpu.memory_space<semaphore_mem>>
      %dma_start3A_370 = arith.constant 0 : i32
      %dma_start3A_371 = arith.constant 0 : i32
      %dma_start3A_372 = tpu.memref_slice %arg3[%add3A, %dma_start3A_370, %dma_start3A_371] : memref<32x26x128xi32, #tpu.memory_space<hbm>> -> memref<1x26x128xi32, #tpu.memory_space<hbm>>
      %dma_start3A_373 = tpu.memref_squeeze %dma_start3A_372 : memref<1x26x128xi32, #tpu.memory_space<hbm>> -> memref<26x128xi32, #tpu.memory_space<hbm>>
      %dma_start3A_374 = arith.constant 0 : i32
      %dma_start3A_375 = arith.constant 0 : i32
      %dma_start3A_376 = tpu.memref_slice %arg3[%add3A, %dma_start3A_374, %dma_start3A_375] : memref<32x26x128xi32, #tpu.memory_space<hbm>> -> memref<1x26x128xi32, #tpu.memory_space<hbm>>
      %dma_start3A_377 = tpu.memref_squeeze %dma_start3A_376 : memref<1x26x128xi32, #tpu.memory_space<hbm>> -> memref<26x128xi32, #tpu.memory_space<hbm>>
      tpu.enqueue_dma source(%dma_start3A_377 : memref<26x128xi32, #tpu.memory_space<hbm>>) target(%arg5 : memref<26x128xi32, #tpu.memory_space<vmem>>) target_semaphore(%run_scoped3A : memref<!tpu.dma_semaphore, #tpu.memory_space<semaphore_mem>>)
      %dma_wait3A_378 = arith.constant 0 : i32
      %dma_wait3A_379 = arith.constant 0 : i32
      %dma_wait3A_380 = tpu.memref_slice %arg3[%add3A, %dma_wait3A_378, %dma_wait3A_379] : memref<32x26x128xi32, #tpu.memory_space<hbm>> -> memref<1x26x128xi32, #tpu.memory_space<hbm>>
      %dma_wait3A_381 = tpu.memref_squeeze %dma_wait3A_380 : memref<1x26x128xi32, #tpu.memory_space<hbm>> -> memref<26x128xi32, #tpu.memory_space<hbm>>
      %dma_wait3A_382 = arith.constant 0 : i32
      %dma_wait3A_383 = arith.constant 0 : i32
      %dma_wait3A_384 = tpu.memref_slice %arg3[%add3A, %dma_wait3A_382, %dma_wait3A_383] : memref<32x26x128xi32, #tpu.memory_space<hbm>> -> memref<1x26x128xi32, #tpu.memory_space<hbm>>
      %dma_wait3A_385 = tpu.memref_squeeze %dma_wait3A_384 : memref<1x26x128xi32, #tpu.memory_space<hbm>> -> memref<26x128xi32, #tpu.memory_space<hbm>>
      tpu.wait_dma2 semaphore(%run_scoped3A : memref<!tpu.dma_semaphore, #tpu.memory_space<semaphore_mem>>) src(%dma_wait3A_385 : memref<26x128xi32, #tpu.memory_space<hbm>>) dst(%arg5 : memref<26x128xi32, #tpu.memory_space<vmem>>)
      tpu.yield
    }) : () -> ()
    %dma_start3A = arith.constant 0 : i32
    %dma_start3A_3 = arith.constant 0 : i32
    %dma_start3A_4 = arith.constant 0 : i32
    %dma_start3A_5 = arith.constant 0 : i32
    %dma_start3A_6 = tpu.memref_slice %arg6[%dma_start3A_3, %dma_start3A_4, %dma_start3A_5] : memref<7x128x128xf32, #tpu.memory_space<vmem>> -> memref<1x128x128xf32, #tpu.memory_space<vmem>>
    %dma_start3A_7 = tpu.memref_squeeze %dma_start3A_6 : memref<1x128x128xf32, #tpu.memory_space<vmem>> -> memref<128x128xf32, #tpu.memory_space<vmem>>
    %dma_start3A_8 = arith.constant 0 : i32
    %dma_start3A_9 = tpu.memref_slice %arg5[%dma_start3A, %dma_start3A_8] : memref<26x128xi32, #tpu.memory_space<vmem>> -> memref<1x128xi32, #tpu.memory_space<vmem>>
    %dma_start3A_10 = tpu.memref_squeeze %dma_start3A_9 : memref<1x128xi32, #tpu.memory_space<vmem>> -> memref<128xi32, #tpu.memory_space<vmem>>
    %dma_start3A_11 = arith.constant 0 : i32
    %dma_start3A_12 = arith.constant 0 : i32
    %dma_start3A_13 = tpu.memref_slice %arg2[%dma_start3A_11, %dma_start3A_12] : memref<100000x128xf32, #tpu.memory_space<hbm>> -> memref<100000x128xf32, #tpu.memory_space<hbm>>
    tpu.enqueue_indirect_dma source(%dma_start3A_13 : memref<100000x128xf32, #tpu.memory_space<hbm>>) target(%dma_start3A_7 : memref<128x128xf32, #tpu.memory_space<vmem>>) offsets(%dma_start3A_10 : memref<128xi32, #tpu.memory_space<vmem>>) semaphore(%arg7 : memref<!tpu.dma_semaphore, #tpu.memory_space<semaphore_mem>>)
    %dma_start3A_14 = arith.constant 1 : i32
    %dma_start3A_15 = arith.constant 1 : i32
    %dma_start3A_16 = arith.constant 0 : i32
    %dma_start3A_17 = arith.constant 0 : i32
    %dma_start3A_18 = tpu.memref_slice %arg6[%dma_start3A_15, %dma_start3A_16, %dma_start3A_17] : memref<7x128x128xf32, #tpu.memory_space<vmem>> -> memref<1x128x128xf32, #tpu.memory_space<vmem>>
    %dma_start3A_19 = tpu.memref_squeeze %dma_start3A_18 : memref<1x128x128xf32, #tpu.memory_space<vmem>> -> memref<128x128xf32, #tpu.memory_space<vmem>>
    %dma_start3A_20 = arith.constant 0 : i32
    %dma_start3A_21 = tpu.memref_slice %arg5[%dma_start3A_14, %dma_start3A_20] : memref<26x128xi32, #tpu.memory_space<vmem>> -> memref<1x128xi32, #tpu.memory_space<vmem>>
    %dma_start3A_22 = tpu.memref_squeeze %dma_start3A_21 : memref<1x128xi32, #tpu.memory_space<vmem>> -> memref<128xi32, #tpu.memory_space<vmem>>
    %dma_start3A_23 = arith.constant 0 : i32
    %dma_start3A_24 = arith.constant 0 : i32
    %dma_start3A_25 = tpu.memref_slice %arg2[%dma_start3A_23, %dma_start3A_24] : memref<100000x128xf32, #tpu.memory_space<hbm>> -> memref<100000x128xf32, #tpu.memory_space<hbm>>
    tpu.enqueue_indirect_dma source(%dma_start3A_25 : memref<100000x128xf32, #tpu.memory_space<hbm>>) target(%dma_start3A_19 : memref<128x128xf32, #tpu.memory_space<vmem>>) offsets(%dma_start3A_22 : memref<128xi32, #tpu.memory_space<vmem>>) semaphore(%arg8 : memref<!tpu.dma_semaphore, #tpu.memory_space<semaphore_mem>>)
    %dma_start3A_26 = arith.constant 2 : i32
    %dma_start3A_27 = arith.constant 2 : i32
    %dma_start3A_28 = arith.constant 0 : i32
    %dma_start3A_29 = arith.constant 0 : i32
    %dma_start3A_30 = tpu.memref_slice %arg6[%dma_start3A_27, %dma_start3A_28, %dma_start3A_29] : memref<7x128x128xf32, #tpu.memory_space<vmem>> -> memref<1x128x128xf32, #tpu.memory_space<vmem>>
    %dma_start3A_31 = tpu.memref_squeeze %dma_start3A_30 : memref<1x128x128xf32, #tpu.memory_space<vmem>> -> memref<128x128xf32, #tpu.memory_space<vmem>>
    %dma_start3A_32 = arith.constant 0 : i32
    %dma_start3A_33 = tpu.memref_slice %arg5[%dma_start3A_26, %dma_start3A_32] : memref<26x128xi32, #tpu.memory_space<vmem>> -> memref<1x128xi32, #tpu.memory_space<vmem>>
    %dma_start3A_34 = tpu.memref_squeeze %dma_start3A_33 : memref<1x128xi32, #tpu.memory_space<vmem>> -> memref<128xi32, #tpu.memory_space<vmem>>
    %dma_start3A_35 = arith.constant 0 : i32
    %dma_start3A_36 = arith.constant 0 : i32
    %dma_start3A_37 = tpu.memref_slice %arg2[%dma_start3A_35, %dma_start3A_36] : memref<100000x128xf32, #tpu.memory_space<hbm>> -> memref<100000x128xf32, #tpu.memory_space<hbm>>
    tpu.enqueue_indirect_dma source(%dma_start3A_37 : memref<100000x128xf32, #tpu.memory_space<hbm>>) target(%dma_start3A_31 : memref<128x128xf32, #tpu.memory_space<vmem>>) offsets(%dma_start3A_34 : memref<128xi32, #tpu.memory_space<vmem>>) semaphore(%arg9 : memref<!tpu.dma_semaphore, #tpu.memory_space<semaphore_mem>>)
    %dma_start3A_38 = arith.constant 3 : i32
    %dma_start3A_39 = arith.constant 3 : i32
    %dma_start3A_40 = arith.constant 0 : i32
    %dma_start3A_41 = arith.constant 0 : i32
    %dma_start3A_42 = tpu.memref_slice %arg6[%dma_start3A_39, %dma_start3A_40, %dma_start3A_41] : memref<7x128x128xf32, #tpu.memory_space<vmem>> -> memref<1x128x128xf32, #tpu.memory_space<vmem>>
    %dma_start3A_43 = tpu.memref_squeeze %dma_start3A_42 : memref<1x128x128xf32, #tpu.memory_space<vmem>> -> memref<128x128xf32, #tpu.memory_space<vmem>>
    %dma_start3A_44 = arith.constant 0 : i32
    %dma_start3A_45 = tpu.memref_slice %arg5[%dma_start3A_38, %dma_start3A_44] : memref<26x128xi32, #tpu.memory_space<vmem>> -> memref<1x128xi32, #tpu.memory_space<vmem>>
    %dma_start3A_46 = tpu.memref_squeeze %dma_start3A_45 : memref<1x128xi32, #tpu.memory_space<vmem>> -> memref<128xi32, #tpu.memory_space<vmem>>
    %dma_start3A_47 = arith.constant 0 : i32
    %dma_start3A_48 = arith.constant 0 : i32
    %dma_start3A_49 = tpu.memref_slice %arg2[%dma_start3A_47, %dma_start3A_48] : memref<100000x128xf32, #tpu.memory_space<hbm>> -> memref<100000x128xf32, #tpu.memory_space<hbm>>
    tpu.enqueue_indirect_dma source(%dma_start3A_49 : memref<100000x128xf32, #tpu.memory_space<hbm>>) target(%dma_start3A_43 : memref<128x128xf32, #tpu.memory_space<vmem>>) offsets(%dma_start3A_46 : memref<128xi32, #tpu.memory_space<vmem>>) semaphore(%arg10 : memref<!tpu.dma_semaphore, #tpu.memory_space<semaphore_mem>>)
    %dma_start3A_50 = arith.constant 4 : i32
    %dma_start3A_51 = arith.constant 4 : i32
    %dma_start3A_52 = arith.constant 0 : i32
    %dma_start3A_53 = arith.constant 0 : i32
    %dma_start3A_54 = tpu.memref_slice %arg6[%dma_start3A_51, %dma_start3A_52, %dma_start3A_53] : memref<7x128x128xf32, #tpu.memory_space<vmem>> -> memref<1x128x128xf32, #tpu.memory_space<vmem>>
    %dma_start3A_55 = tpu.memref_squeeze %dma_start3A_54 : memref<1x128x128xf32, #tpu.memory_space<vmem>> -> memref<128x128xf32, #tpu.memory_space<vmem>>
    %dma_start3A_56 = arith.constant 0 : i32
    %dma_start3A_57 = tpu.memref_slice %arg5[%dma_start3A_50, %dma_start3A_56] : memref<26x128xi32, #tpu.memory_space<vmem>> -> memref<1x128xi32, #tpu.memory_space<vmem>>
    %dma_start3A_58 = tpu.memref_squeeze %dma_start3A_57 : memref<1x128xi32, #tpu.memory_space<vmem>> -> memref<128xi32, #tpu.memory_space<vmem>>
    %dma_start3A_59 = arith.constant 0 : i32
    %dma_start3A_60 = arith.constant 0 : i32
    %dma_start3A_61 = tpu.memref_slice %arg2[%dma_start3A_59, %dma_start3A_60] : memref<100000x128xf32, #tpu.memory_space<hbm>> -> memref<100000x128xf32, #tpu.memory_space<hbm>>
    tpu.enqueue_indirect_dma source(%dma_start3A_61 : memref<100000x128xf32, #tpu.memory_space<hbm>>) target(%dma_start3A_55 : memref<128x128xf32, #tpu.memory_space<vmem>>) offsets(%dma_start3A_58 : memref<128xi32, #tpu.memory_space<vmem>>) semaphore(%arg11 : memref<!tpu.dma_semaphore, #tpu.memory_space<semaphore_mem>>)
    %dma_start3A_62 = arith.constant 5 : i32
    %dma_start3A_63 = arith.constant 5 : i32
    %dma_start3A_64 = arith.constant 0 : i32
    %dma_start3A_65 = arith.constant 0 : i32
    %dma_start3A_66 = tpu.memref_slice %arg6[%dma_start3A_63, %dma_start3A_64, %dma_start3A_65] : memref<7x128x128xf32, #tpu.memory_space<vmem>> -> memref<1x128x128xf32, #tpu.memory_space<vmem>>
    %dma_start3A_67 = tpu.memref_squeeze %dma_start3A_66 : memref<1x128x128xf32, #tpu.memory_space<vmem>> -> memref<128x128xf32, #tpu.memory_space<vmem>>
    %dma_start3A_68 = arith.constant 0 : i32
    %dma_start3A_69 = tpu.memref_slice %arg5[%dma_start3A_62, %dma_start3A_68] : memref<26x128xi32, #tpu.memory_space<vmem>> -> memref<1x128xi32, #tpu.memory_space<vmem>>
    %dma_start3A_70 = tpu.memref_squeeze %dma_start3A_69 : memref<1x128xi32, #tpu.memory_space<vmem>> -> memref<128xi32, #tpu.memory_space<vmem>>
    %dma_start3A_71 = arith.constant 0 : i32
    %dma_start3A_72 = arith.constant 0 : i32
    %dma_start3A_73 = tpu.memref_slice %arg2[%dma_start3A_71, %dma_start3A_72] : memref<100000x128xf32, #tpu.memory_space<hbm>> -> memref<100000x128xf32, #tpu.memory_space<hbm>>
    tpu.enqueue_indirect_dma source(%dma_start3A_73 : memref<100000x128xf32, #tpu.memory_space<hbm>>) target(%dma_start3A_67 : memref<128x128xf32, #tpu.memory_space<vmem>>) offsets(%dma_start3A_70 : memref<128xi32, #tpu.memory_space<vmem>>) semaphore(%arg12 : memref<!tpu.dma_semaphore, #tpu.memory_space<semaphore_mem>>)
    %dma_start3A_74 = arith.constant 6 : i32
    %dma_start3A_75 = arith.constant 6 : i32
    %dma_start3A_76 = arith.constant 0 : i32
    %dma_start3A_77 = arith.constant 0 : i32
    %dma_start3A_78 = tpu.memref_slice %arg6[%dma_start3A_75, %dma_start3A_76, %dma_start3A_77] : memref<7x128x128xf32, #tpu.memory_space<vmem>> -> memref<1x128x128xf32, #tpu.memory_space<vmem>>
    %dma_start3A_79 = tpu.memref_squeeze %dma_start3A_78 : memref<1x128x128xf32, #tpu.memory_space<vmem>> -> memref<128x128xf32, #tpu.memory_space<vmem>>
    %dma_start3A_80 = arith.constant 0 : i32
    %dma_start3A_81 = tpu.memref_slice %arg5[%dma_start3A_74, %dma_start3A_80] : memref<26x128xi32, #tpu.memory_space<vmem>> -> memref<1x128xi32, #tpu.memory_space<vmem>>
    %dma_start3A_82 = tpu.memref_squeeze %dma_start3A_81 : memref<1x128xi32, #tpu.memory_space<vmem>> -> memref<128xi32, #tpu.memory_space<vmem>>
    %dma_start3A_83 = arith.constant 0 : i32
    %dma_start3A_84 = arith.constant 0 : i32
    %dma_start3A_85 = tpu.memref_slice %arg2[%dma_start3A_83, %dma_start3A_84] : memref<100000x128xf32, #tpu.memory_space<hbm>> -> memref<100000x128xf32, #tpu.memory_space<hbm>>
    tpu.enqueue_indirect_dma source(%dma_start3A_85 : memref<100000x128xf32, #tpu.memory_space<hbm>>) target(%dma_start3A_79 : memref<128x128xf32, #tpu.memory_space<vmem>>) offsets(%dma_start3A_82 : memref<128xi32, #tpu.memory_space<vmem>>) semaphore(%arg13 : memref<!tpu.dma_semaphore, #tpu.memory_space<semaphore_mem>>)
    %scan3A = arith.constant 0 : i32
    %scan3A_86 = arith.constant 0 : i32
    %scan3A_87 = arith.constant 3 : i32
    %scan3A_88 = arith.addi %scan3A_86, %scan3A_87 : i32
    %scan3A_89 = arith.constant 1 : i32
    scf.for %scan3A_370 = %scan3A_86 to %scan3A_88 step %scan3A_89  : i32 {
      %mul3A_371 = arith.constant 7 : i32
      %mul3A_372 = arith.muli %scan3A_370, %mul3A_371 : i32
      %add3A_373 = arith.constant 0 : i32
      %add3A_374 = arith.addi %mul3A_372, %add3A_373 : i32
      %dma_wait3A_375 = arith.constant 0 : i32
      %dma_wait3A_376 = arith.constant 0 : i32
      %dma_wait3A_377 = arith.constant 0 : i32
      %dma_wait3A_378 = tpu.memref_slice %arg6[%dma_wait3A_375, %dma_wait3A_376, %dma_wait3A_377] : memref<7x128x128xf32, #tpu.memory_space<vmem>> -> memref<1x128x128xf32, #tpu.memory_space<vmem>>
      %dma_wait3A_379 = tpu.memref_squeeze %dma_wait3A_378 : memref<1x128x128xf32, #tpu.memory_space<vmem>> -> memref<128x128xf32, #tpu.memory_space<vmem>>
      %dma_wait3A_380 = arith.constant 0 : i32
      %dma_wait3A_381 = tpu.memref_slice %arg5[%add3A_374, %dma_wait3A_380] : memref<26x128xi32, #tpu.memory_space<vmem>> -> memref<1x128xi32, #tpu.memory_space<vmem>>
      %dma_wait3A_382 = tpu.memref_squeeze %dma_wait3A_381 : memref<1x128xi32, #tpu.memory_space<vmem>> -> memref<128xi32, #tpu.memory_space<vmem>>
      %dma_wait3A_383 = arith.constant 0 : i32
      %dma_wait3A_384 = arith.constant 0 : i32
      %dma_wait3A_385 = tpu.memref_slice %arg2[%dma_wait3A_383, %dma_wait3A_384] : memref<100000x128xf32, #tpu.memory_space<hbm>> -> memref<100000x128xf32, #tpu.memory_space<hbm>>
      tpu.wait_indirect_dma semaphore(%arg7 : memref<!tpu.dma_semaphore, #tpu.memory_space<semaphore_mem>>) src(%dma_wait3A_385 : memref<100000x128xf32, #tpu.memory_space<hbm>>) dst(%dma_wait3A_379 : memref<128x128xf32, #tpu.memory_space<vmem>>)
      %dma_start3A_386 = arith.constant 0 : i32
      %dma_start3A_387 = arith.constant 0 : i32
      %dma_start3A_388 = arith.constant 0 : i32
      %dma_start3A_389 = tpu.memref_slice %arg6[%dma_start3A_386, %dma_start3A_387, %dma_start3A_388] : memref<7x128x128xf32, #tpu.memory_space<vmem>> -> memref<1x128x128xf32, #tpu.memory_space<vmem>>
      %dma_start3A_390 = tpu.memref_squeeze %dma_start3A_389 : memref<1x128x128xf32, #tpu.memory_space<vmem>> -> memref<128x128xf32, #tpu.memory_space<vmem>>
      %dma_start3A_391 = arith.constant 0 : i32
      %dma_start3A_392 = tpu.memref_slice %arg4[%add3A_374, %mul3A_2, %dma_start3A_391] : memref<26x4096x128xf32, #tpu.memory_space<hbm>> -> memref<1x128x128xf32, #tpu.memory_space<hbm>>
      %dma_start3A_393 = tpu.memref_squeeze %dma_start3A_392 : memref<1x128x128xf32, #tpu.memory_space<hbm>> -> memref<128x128xf32, #tpu.memory_space<hbm>>
      %dma_start3A_394 = arith.constant 0 : i32
      %dma_start3A_395 = tpu.memref_slice %arg4[%add3A_374, %mul3A_2, %dma_start3A_394] : memref<26x4096x128xf32, #tpu.memory_space<hbm>> -> memref<1x128x128xf32, #tpu.memory_space<hbm>>
      %dma_start3A_396 = tpu.memref_squeeze %dma_start3A_395 : memref<1x128x128xf32, #tpu.memory_space<hbm>> -> memref<128x128xf32, #tpu.memory_space<hbm>>
      %dma_start3A_397 = arith.constant 0 : i32
      %dma_start3A_398 = arith.constant 0 : i32
      %dma_start3A_399 = tpu.memref_slice %arg6[%dma_start3A_386, %dma_start3A_397, %dma_start3A_398] : memref<7x128x128xf32, #tpu.memory_space<vmem>> -> memref<1x128x128xf32, #tpu.memory_space<vmem>>
      %dma_start3A_400 = tpu.memref_squeeze %dma_start3A_399 : memref<1x128x128xf32, #tpu.memory_space<vmem>> -> memref<128x128xf32, #tpu.memory_space<vmem>>
      tpu.enqueue_dma source(%dma_start3A_400 : memref<128x128xf32, #tpu.memory_space<vmem>>) target(%dma_start3A_396 : memref<128x128xf32, #tpu.memory_space<hbm>>) target_semaphore(%arg14 : memref<!tpu.dma_semaphore, #tpu.memory_space<semaphore_mem>>)
      %ge3A = arith.constant 3 : i32
      %ge3A_401 = arith.cmpi sge, %add3A_374, %ge3A : i32
      %convert_element_type3A = arith.extui %ge3A_401 : i1 to i32
      %cond3A = arith.constant 0 : i32
      %cond3A_402 = arith.cmpi ne, %convert_element_type3A, %cond3A : i32
      scf.if %cond3A_402 {
        %sub3A = arith.constant 3 : i32
        %sub3A_613 = arith.subi %add3A_374, %sub3A : i32
        %dma_wait3A_614 = arith.constant 4 : i32
        %dma_wait3A_615 = arith.constant 0 : i32
        %dma_wait3A_616 = arith.constant 0 : i32
        %dma_wait3A_617 = tpu.memref_slice %arg6[%dma_wait3A_614, %dma_wait3A_615, %dma_wait3A_616] : memref<7x128x128xf32, #tpu.memory_space<vmem>> -> memref<1x128x128xf32, #tpu.memory_space<vmem>>
        %dma_wait3A_618 = tpu.memref_squeeze %dma_wait3A_617 : memref<1x128x128xf32, #tpu.memory_space<vmem>> -> memref<128x128xf32, #tpu.memory_space<vmem>>
        %dma_wait3A_619 = arith.constant 0 : i32
        %dma_wait3A_620 = tpu.memref_slice %arg4[%sub3A_613, %mul3A_2, %dma_wait3A_619] : memref<26x4096x128xf32, #tpu.memory_space<hbm>> -> memref<1x128x128xf32, #tpu.memory_space<hbm>>
        %dma_wait3A_621 = tpu.memref_squeeze %dma_wait3A_620 : memref<1x128x128xf32, #tpu.memory_space<hbm>> -> memref<128x128xf32, #tpu.memory_space<hbm>>
        %dma_wait3A_622 = arith.constant 0 : i32
        %dma_wait3A_623 = tpu.memref_slice %arg4[%sub3A_613, %mul3A_2, %dma_wait3A_622] : memref<26x4096x128xf32, #tpu.memory_space<hbm>> -> memref<1x128x128xf32, #tpu.memory_space<hbm>>
        %dma_wait3A_624 = tpu.memref_squeeze %dma_wait3A_623 : memref<1x128x128xf32, #tpu.memory_space<hbm>> -> memref<128x128xf32, #tpu.memory_space<hbm>>
        %dma_wait3A_625 = arith.constant 0 : i32
        %dma_wait3A_626 = arith.constant 0 : i32
        %dma_wait3A_627 = tpu.memref_slice %arg6[%dma_wait3A_614, %dma_wait3A_625, %dma_wait3A_626] : memref<7x128x128xf32, #tpu.memory_space<vmem>> -> memref<1x128x128xf32, #tpu.memory_space<vmem>>
        %dma_wait3A_628 = tpu.memref_squeeze %dma_wait3A_627 : memref<1x128x128xf32, #tpu.memory_space<vmem>> -> memref<128x128xf32, #tpu.memory_space<vmem>>
        tpu.wait_dma2 semaphore(%arg18 : memref<!tpu.dma_semaphore, #tpu.memory_space<semaphore_mem>>) src(%dma_wait3A_628 : memref<128x128xf32, #tpu.memory_space<vmem>>) dst(%dma_wait3A_624 : memref<128x128xf32, #tpu.memory_space<hbm>>)
        %add3A_629 = arith.constant 7 : i32
        %add3A_630 = arith.addi %sub3A_613, %add3A_629 : i32
        %le3A = arith.constant 25 : i32
        %le3A_631 = arith.cmpi sle, %add3A_630, %le3A : i32
        %convert_element_type3A_632 = arith.extui %le3A_631 : i1 to i32
        %cond3A_633 = arith.constant 0 : i32
        %cond3A_634 = arith.cmpi ne, %convert_element_type3A_632, %cond3A_633 : i32
        scf.if %cond3A_634 {
          %add3A_635 = arith.constant 7 : i32
          %add3A_636 = arith.addi %sub3A_613, %add3A_635 : i32
          %dma_start3A_637 = arith.constant 4 : i32
          %dma_start3A_638 = arith.constant 0 : i32
          %dma_start3A_639 = arith.constant 0 : i32
          %dma_start3A_640 = tpu.memref_slice %arg6[%dma_start3A_637, %dma_start3A_638, %dma_start3A_639] : memref<7x128x128xf32, #tpu.memory_space<vmem>> -> memref<1x128x128xf32, #tpu.memory_space<vmem>>
          %dma_start3A_641 = tpu.memref_squeeze %dma_start3A_640 : memref<1x128x128xf32, #tpu.memory_space<vmem>> -> memref<128x128xf32, #tpu.memory_space<vmem>>
          %dma_start3A_642 = arith.constant 0 : i32
          %dma_start3A_643 = tpu.memref_slice %arg5[%add3A_636, %dma_start3A_642] : memref<26x128xi32, #tpu.memory_space<vmem>> -> memref<1x128xi32, #tpu.memory_space<vmem>>
          %dma_start3A_644 = tpu.memref_squeeze %dma_start3A_643 : memref<1x128xi32, #tpu.memory_space<vmem>> -> memref<128xi32, #tpu.memory_space<vmem>>
          %dma_start3A_645 = arith.constant 0 : i32
          %dma_start3A_646 = arith.constant 0 : i32
          %dma_start3A_647 = tpu.memref_slice %arg2[%dma_start3A_645, %dma_start3A_646] : memref<100000x128xf32, #tpu.memory_space<hbm>> -> memref<100000x128xf32, #tpu.memory_space<hbm>>
          tpu.enqueue_indirect_dma source(%dma_start3A_647 : memref<100000x128xf32, #tpu.memory_space<hbm>>) target(%dma_start3A_641 : memref<128x128xf32, #tpu.memory_space<vmem>>) offsets(%dma_start3A_644 : memref<128xi32, #tpu.memory_space<vmem>>) semaphore(%arg11 : memref<!tpu.dma_semaphore, #tpu.memory_space<semaphore_mem>>)
        } else {
        }
      } else {
      }
      %mul3A_403 = arith.constant 7 : i32
      %mul3A_404 = arith.muli %scan3A_370, %mul3A_403 : i32
      %add3A_405 = arith.constant 1 : i32
      %add3A_406 = arith.addi %mul3A_404, %add3A_405 : i32
      %dma_wait3A_407 = arith.constant 1 : i32
      %dma_wait3A_408 = arith.constant 0 : i32
      %dma_wait3A_409 = arith.constant 0 : i32
      %dma_wait3A_410 = tpu.memref_slice %arg6[%dma_wait3A_407, %dma_wait3A_408, %dma_wait3A_409] : memref<7x128x128xf32, #tpu.memory_space<vmem>> -> memref<1x128x128xf32, #tpu.memory_space<vmem>>
      %dma_wait3A_411 = tpu.memref_squeeze %dma_wait3A_410 : memref<1x128x128xf32, #tpu.memory_space<vmem>> -> memref<128x128xf32, #tpu.memory_space<vmem>>
      %dma_wait3A_412 = arith.constant 0 : i32
      %dma_wait3A_413 = tpu.memref_slice %arg5[%add3A_406, %dma_wait3A_412] : memref<26x128xi32, #tpu.memory_space<vmem>> -> memref<1x128xi32, #tpu.memory_space<vmem>>
      %dma_wait3A_414 = tpu.memref_squeeze %dma_wait3A_413 : memref<1x128xi32, #tpu.memory_space<vmem>> -> memref<128xi32, #tpu.memory_space<vmem>>
      %dma_wait3A_415 = arith.constant 0 : i32
      %dma_wait3A_416 = arith.constant 0 : i32
      %dma_wait3A_417 = tpu.memref_slice %arg2[%dma_wait3A_415, %dma_wait3A_416] : memref<100000x128xf32, #tpu.memory_space<hbm>> -> memref<100000x128xf32, #tpu.memory_space<hbm>>
      tpu.wait_indirect_dma semaphore(%arg8 : memref<!tpu.dma_semaphore, #tpu.memory_space<semaphore_mem>>) src(%dma_wait3A_417 : memref<100000x128xf32, #tpu.memory_space<hbm>>) dst(%dma_wait3A_411 : memref<128x128xf32, #tpu.memory_space<vmem>>)
      %dma_start3A_418 = arith.constant 1 : i32
      %dma_start3A_419 = arith.constant 0 : i32
      %dma_start3A_420 = arith.constant 0 : i32
      %dma_start3A_421 = tpu.memref_slice %arg6[%dma_start3A_418, %dma_start3A_419, %dma_start3A_420] : memref<7x128x128xf32, #tpu.memory_space<vmem>> -> memref<1x128x128xf32, #tpu.memory_space<vmem>>
      %dma_start3A_422 = tpu.memref_squeeze %dma_start3A_421 : memref<1x128x128xf32, #tpu.memory_space<vmem>> -> memref<128x128xf32, #tpu.memory_space<vmem>>
      %dma_start3A_423 = arith.constant 0 : i32
      %dma_start3A_424 = tpu.memref_slice %arg4[%add3A_406, %mul3A_2, %dma_start3A_423] : memref<26x4096x128xf32, #tpu.memory_space<hbm>> -> memref<1x128x128xf32, #tpu.memory_space<hbm>>
      %dma_start3A_425 = tpu.memref_squeeze %dma_start3A_424 : memref<1x128x128xf32, #tpu.memory_space<hbm>> -> memref<128x128xf32, #tpu.memory_space<hbm>>
      %dma_start3A_426 = arith.constant 0 : i32
      %dma_start3A_427 = tpu.memref_slice %arg4[%add3A_406, %mul3A_2, %dma_start3A_426] : memref<26x4096x128xf32, #tpu.memory_space<hbm>> -> memref<1x128x128xf32, #tpu.memory_space<hbm>>
      %dma_start3A_428 = tpu.memref_squeeze %dma_start3A_427 : memref<1x128x128xf32, #tpu.memory_space<hbm>> -> memref<128x128xf32, #tpu.memory_space<hbm>>
      %dma_start3A_429 = arith.constant 0 : i32
      %dma_start3A_430 = arith.constant 0 : i32
      %dma_start3A_431 = tpu.memref_slice %arg6[%dma_start3A_418, %dma_start3A_429, %dma_start3A_430] : memref<7x128x128xf32, #tpu.memory_space<vmem>> -> memref<1x128x128xf32, #tpu.memory_space<vmem>>
      %dma_start3A_432 = tpu.memref_squeeze %dma_start3A_431 : memref<1x128x128xf32, #tpu.memory_space<vmem>> -> memref<128x128xf32, #tpu.memory_space<vmem>>
      tpu.enqueue_dma source(%dma_start3A_432 : memref<128x128xf32, #tpu.memory_space<vmem>>) target(%dma_start3A_428 : memref<128x128xf32, #tpu.memory_space<hbm>>) target_semaphore(%arg15 : memref<!tpu.dma_semaphore, #tpu.memory_space<semaphore_mem>>)
      %ge3A_433 = arith.constant 3 : i32
      %ge3A_434 = arith.cmpi sge, %add3A_406, %ge3A_433 : i32
      %convert_element_type3A_435 = arith.extui %ge3A_434 : i1 to i32
      %cond3A_436 = arith.constant 0 : i32
      %cond3A_437 = arith.cmpi ne, %convert_element_type3A_435, %cond3A_436 : i32
      scf.if %cond3A_437 {
        %sub3A = arith.constant 3 : i32
        %sub3A_613 = arith.subi %add3A_406, %sub3A : i32
        %dma_wait3A_614 = arith.constant 5 : i32
        %dma_wait3A_615 = arith.constant 0 : i32
        %dma_wait3A_616 = arith.constant 0 : i32
        %dma_wait3A_617 = tpu.memref_slice %arg6[%dma_wait3A_614, %dma_wait3A_615, %dma_wait3A_616] : memref<7x128x128xf32, #tpu.memory_space<vmem>> -> memref<1x128x128xf32, #tpu.memory_space<vmem>>
        %dma_wait3A_618 = tpu.memref_squeeze %dma_wait3A_617 : memref<1x128x128xf32, #tpu.memory_space<vmem>> -> memref<128x128xf32, #tpu.memory_space<vmem>>
        %dma_wait3A_619 = arith.constant 0 : i32
        %dma_wait3A_620 = tpu.memref_slice %arg4[%sub3A_613, %mul3A_2, %dma_wait3A_619] : memref<26x4096x128xf32, #tpu.memory_space<hbm>> -> memref<1x128x128xf32, #tpu.memory_space<hbm>>
        %dma_wait3A_621 = tpu.memref_squeeze %dma_wait3A_620 : memref<1x128x128xf32, #tpu.memory_space<hbm>> -> memref<128x128xf32, #tpu.memory_space<hbm>>
        %dma_wait3A_622 = arith.constant 0 : i32
        %dma_wait3A_623 = tpu.memref_slice %arg4[%sub3A_613, %mul3A_2, %dma_wait3A_622] : memref<26x4096x128xf32, #tpu.memory_space<hbm>> -> memref<1x128x128xf32, #tpu.memory_space<hbm>>
        %dma_wait3A_624 = tpu.memref_squeeze %dma_wait3A_623 : memref<1x128x128xf32, #tpu.memory_space<hbm>> -> memref<128x128xf32, #tpu.memory_space<hbm>>
        %dma_wait3A_625 = arith.constant 0 : i32
        %dma_wait3A_626 = arith.constant 0 : i32
        %dma_wait3A_627 = tpu.memref_slice %arg6[%dma_wait3A_614, %dma_wait3A_625, %dma_wait3A_626] : memref<7x128x128xf32, #tpu.memory_space<vmem>> -> memref<1x128x128xf32, #tpu.memory_space<vmem>>
        %dma_wait3A_628 = tpu.memref_squeeze %dma_wait3A_627 : memref<1x128x128xf32, #tpu.memory_space<vmem>> -> memref<128x128xf32, #tpu.memory_space<vmem>>
        tpu.wait_dma2 semaphore(%arg19 : memref<!tpu.dma_semaphore, #tpu.memory_space<semaphore_mem>>) src(%dma_wait3A_628 : memref<128x128xf32, #tpu.memory_space<vmem>>) dst(%dma_wait3A_624 : memref<128x128xf32, #tpu.memory_space<hbm>>)
        %add3A_629 = arith.constant 7 : i32
        %add3A_630 = arith.addi %sub3A_613, %add3A_629 : i32
        %le3A = arith.constant 25 : i32
        %le3A_631 = arith.cmpi sle, %add3A_630, %le3A : i32
        %convert_element_type3A_632 = arith.extui %le3A_631 : i1 to i32
        %cond3A_633 = arith.constant 0 : i32
        %cond3A_634 = arith.cmpi ne, %convert_element_type3A_632, %cond3A_633 : i32
        scf.if %cond3A_634 {
          %add3A_635 = arith.constant 7 : i32
          %add3A_636 = arith.addi %sub3A_613, %add3A_635 : i32
          %dma_start3A_637 = arith.constant 5 : i32
          %dma_start3A_638 = arith.constant 0 : i32
          %dma_start3A_639 = arith.constant 0 : i32
          %dma_start3A_640 = tpu.memref_slice %arg6[%dma_start3A_637, %dma_start3A_638, %dma_start3A_639] : memref<7x128x128xf32, #tpu.memory_space<vmem>> -> memref<1x128x128xf32, #tpu.memory_space<vmem>>
          %dma_start3A_641 = tpu.memref_squeeze %dma_start3A_640 : memref<1x128x128xf32, #tpu.memory_space<vmem>> -> memref<128x128xf32, #tpu.memory_space<vmem>>
          %dma_start3A_642 = arith.constant 0 : i32
          %dma_start3A_643 = tpu.memref_slice %arg5[%add3A_636, %dma_start3A_642] : memref<26x128xi32, #tpu.memory_space<vmem>> -> memref<1x128xi32, #tpu.memory_space<vmem>>
          %dma_start3A_644 = tpu.memref_squeeze %dma_start3A_643 : memref<1x128xi32, #tpu.memory_space<vmem>> -> memref<128xi32, #tpu.memory_space<vmem>>
          %dma_start3A_645 = arith.constant 0 : i32
          %dma_start3A_646 = arith.constant 0 : i32
          %dma_start3A_647 = tpu.memref_slice %arg2[%dma_start3A_645, %dma_start3A_646] : memref<100000x128xf32, #tpu.memory_space<hbm>> -> memref<100000x128xf32, #tpu.memory_space<hbm>>
          tpu.enqueue_indirect_dma source(%dma_start3A_647 : memref<100000x128xf32, #tpu.memory_space<hbm>>) target(%dma_start3A_641 : memref<128x128xf32, #tpu.memory_space<vmem>>) offsets(%dma_start3A_644 : memref<128xi32, #tpu.memory_space<vmem>>) semaphore(%arg12 : memref<!tpu.dma_semaphore, #tpu.memory_space<semaphore_mem>>)
        } else {
        }
      } else {
      }
      %mul3A_438 = arith.constant 7 : i32
      %mul3A_439 = arith.muli %scan3A_370, %mul3A_438 : i32
      %add3A_440 = arith.constant 2 : i32
      %add3A_441 = arith.addi %mul3A_439, %add3A_440 : i32
      %dma_wait3A_442 = arith.constant 2 : i32
      %dma_wait3A_443 = arith.constant 0 : i32
      %dma_wait3A_444 = arith.constant 0 : i32
      %dma_wait3A_445 = tpu.memref_slice %arg6[%dma_wait3A_442, %dma_wait3A_443, %dma_wait3A_444] : memref<7x128x128xf32, #tpu.memory_space<vmem>> -> memref<1x128x128xf32, #tpu.memory_space<vmem>>
      %dma_wait3A_446 = tpu.memref_squeeze %dma_wait3A_445 : memref<1x128x128xf32, #tpu.memory_space<vmem>> -> memref<128x128xf32, #tpu.memory_space<vmem>>
      %dma_wait3A_447 = arith.constant 0 : i32
      %dma_wait3A_448 = tpu.memref_slice %arg5[%add3A_441, %dma_wait3A_447] : memref<26x128xi32, #tpu.memory_space<vmem>> -> memref<1x128xi32, #tpu.memory_space<vmem>>
      %dma_wait3A_449 = tpu.memref_squeeze %dma_wait3A_448 : memref<1x128xi32, #tpu.memory_space<vmem>> -> memref<128xi32, #tpu.memory_space<vmem>>
      %dma_wait3A_450 = arith.constant 0 : i32
      %dma_wait3A_451 = arith.constant 0 : i32
      %dma_wait3A_452 = tpu.memref_slice %arg2[%dma_wait3A_450, %dma_wait3A_451] : memref<100000x128xf32, #tpu.memory_space<hbm>> -> memref<100000x128xf32, #tpu.memory_space<hbm>>
      tpu.wait_indirect_dma semaphore(%arg9 : memref<!tpu.dma_semaphore, #tpu.memory_space<semaphore_mem>>) src(%dma_wait3A_452 : memref<100000x128xf32, #tpu.memory_space<hbm>>) dst(%dma_wait3A_446 : memref<128x128xf32, #tpu.memory_space<vmem>>)
      %dma_start3A_453 = arith.constant 2 : i32
      %dma_start3A_454 = arith.constant 0 : i32
      %dma_start3A_455 = arith.constant 0 : i32
      %dma_start3A_456 = tpu.memref_slice %arg6[%dma_start3A_453, %dma_start3A_454, %dma_start3A_455] : memref<7x128x128xf32, #tpu.memory_space<vmem>> -> memref<1x128x128xf32, #tpu.memory_space<vmem>>
      %dma_start3A_457 = tpu.memref_squeeze %dma_start3A_456 : memref<1x128x128xf32, #tpu.memory_space<vmem>> -> memref<128x128xf32, #tpu.memory_space<vmem>>
      %dma_start3A_458 = arith.constant 0 : i32
      %dma_start3A_459 = tpu.memref_slice %arg4[%add3A_441, %mul3A_2, %dma_start3A_458] : memref<26x4096x128xf32, #tpu.memory_space<hbm>> -> memref<1x128x128xf32, #tpu.memory_space<hbm>>
      %dma_start3A_460 = tpu.memref_squeeze %dma_start3A_459 : memref<1x128x128xf32, #tpu.memory_space<hbm>> -> memref<128x128xf32, #tpu.memory_space<hbm>>
      %dma_start3A_461 = arith.constant 0 : i32
      %dma_start3A_462 = tpu.memref_slice %arg4[%add3A_441, %mul3A_2, %dma_start3A_461] : memref<26x4096x128xf32, #tpu.memory_space<hbm>> -> memref<1x128x128xf32, #tpu.memory_space<hbm>>
      %dma_start3A_463 = tpu.memref_squeeze %dma_start3A_462 : memref<1x128x128xf32, #tpu.memory_space<hbm>> -> memref<128x128xf32, #tpu.memory_space<hbm>>
      %dma_start3A_464 = arith.constant 0 : i32
      %dma_start3A_465 = arith.constant 0 : i32
      %dma_start3A_466 = tpu.memref_slice %arg6[%dma_start3A_453, %dma_start3A_464, %dma_start3A_465] : memref<7x128x128xf32, #tpu.memory_space<vmem>> -> memref<1x128x128xf32, #tpu.memory_space<vmem>>
      %dma_start3A_467 = tpu.memref_squeeze %dma_start3A_466 : memref<1x128x128xf32, #tpu.memory_space<vmem>> -> memref<128x128xf32, #tpu.memory_space<vmem>>
      tpu.enqueue_dma source(%dma_start3A_467 : memref<128x128xf32, #tpu.memory_space<vmem>>) target(%dma_start3A_463 : memref<128x128xf32, #tpu.memory_space<hbm>>) target_semaphore(%arg16 : memref<!tpu.dma_semaphore, #tpu.memory_space<semaphore_mem>>)
      %ge3A_468 = arith.constant 3 : i32
      %ge3A_469 = arith.cmpi sge, %add3A_441, %ge3A_468 : i32
      %convert_element_type3A_470 = arith.extui %ge3A_469 : i1 to i32
      %cond3A_471 = arith.constant 0 : i32
      %cond3A_472 = arith.cmpi ne, %convert_element_type3A_470, %cond3A_471 : i32
      scf.if %cond3A_472 {
        %sub3A = arith.constant 3 : i32
        %sub3A_613 = arith.subi %add3A_441, %sub3A : i32
        %dma_wait3A_614 = arith.constant 6 : i32
        %dma_wait3A_615 = arith.constant 0 : i32
        %dma_wait3A_616 = arith.constant 0 : i32
        %dma_wait3A_617 = tpu.memref_slice %arg6[%dma_wait3A_614, %dma_wait3A_615, %dma_wait3A_616] : memref<7x128x128xf32, #tpu.memory_space<vmem>> -> memref<1x128x128xf32, #tpu.memory_space<vmem>>
        %dma_wait3A_618 = tpu.memref_squeeze %dma_wait3A_617 : memref<1x128x128xf32, #tpu.memory_space<vmem>> -> memref<128x128xf32, #tpu.memory_space<vmem>>
        %dma_wait3A_619 = arith.constant 0 : i32
        %dma_wait3A_620 = tpu.memref_slice %arg4[%sub3A_613, %mul3A_2, %dma_wait3A_619] : memref<26x4096x128xf32, #tpu.memory_space<hbm>> -> memref<1x128x128xf32, #tpu.memory_space<hbm>>
        %dma_wait3A_621 = tpu.memref_squeeze %dma_wait3A_620 : memref<1x128x128xf32, #tpu.memory_space<hbm>> -> memref<128x128xf32, #tpu.memory_space<hbm>>
        %dma_wait3A_622 = arith.constant 0 : i32
        %dma_wait3A_623 = tpu.memref_slice %arg4[%sub3A_613, %mul3A_2, %dma_wait3A_622] : memref<26x4096x128xf32, #tpu.memory_space<hbm>> -> memref<1x128x128xf32, #tpu.memory_space<hbm>>
        %dma_wait3A_624 = tpu.memref_squeeze %dma_wait3A_623 : memref<1x128x128xf32, #tpu.memory_space<hbm>> -> memref<128x128xf32, #tpu.memory_space<hbm>>
        %dma_wait3A_625 = arith.constant 0 : i32
        %dma_wait3A_626 = arith.constant 0 : i32
        %dma_wait3A_627 = tpu.memref_slice %arg6[%dma_wait3A_614, %dma_wait3A_625, %dma_wait3A_626] : memref<7x128x128xf32, #tpu.memory_space<vmem>> -> memref<1x128x128xf32, #tpu.memory_space<vmem>>
        %dma_wait3A_628 = tpu.memref_squeeze %dma_wait3A_627 : memref<1x128x128xf32, #tpu.memory_space<vmem>> -> memref<128x128xf32, #tpu.memory_space<vmem>>
        tpu.wait_dma2 semaphore(%arg20 : memref<!tpu.dma_semaphore, #tpu.memory_space<semaphore_mem>>) src(%dma_wait3A_628 : memref<128x128xf32, #tpu.memory_space<vmem>>) dst(%dma_wait3A_624 : memref<128x128xf32, #tpu.memory_space<hbm>>)
        %add3A_629 = arith.constant 7 : i32
        %add3A_630 = arith.addi %sub3A_613, %add3A_629 : i32
        %le3A = arith.constant 25 : i32
        %le3A_631 = arith.cmpi sle, %add3A_630, %le3A : i32
        %convert_element_type3A_632 = arith.extui %le3A_631 : i1 to i32
        %cond3A_633 = arith.constant 0 : i32
        %cond3A_634 = arith.cmpi ne, %convert_element_type3A_632, %cond3A_633 : i32
        scf.if %cond3A_634 {
          %add3A_635 = arith.constant 7 : i32
          %add3A_636 = arith.addi %sub3A_613, %add3A_635 : i32
          %dma_start3A_637 = arith.constant 6 : i32
          %dma_start3A_638 = arith.constant 0 : i32
          %dma_start3A_639 = arith.constant 0 : i32
          %dma_start3A_640 = tpu.memref_slice %arg6[%dma_start3A_637, %dma_start3A_638, %dma_start3A_639] : memref<7x128x128xf32, #tpu.memory_space<vmem>> -> memref<1x128x128xf32, #tpu.memory_space<vmem>>
          %dma_start3A_641 = tpu.memref_squeeze %dma_start3A_640 : memref<1x128x128xf32, #tpu.memory_space<vmem>> -> memref<128x128xf32, #tpu.memory_space<vmem>>
          %dma_start3A_642 = arith.constant 0 : i32
          %dma_start3A_643 = tpu.memref_slice %arg5[%add3A_636, %dma_start3A_642] : memref<26x128xi32, #tpu.memory_space<vmem>> -> memref<1x128xi32, #tpu.memory_space<vmem>>
          %dma_start3A_644 = tpu.memref_squeeze %dma_start3A_643 : memref<1x128xi32, #tpu.memory_space<vmem>> -> memref<128xi32, #tpu.memory_space<vmem>>
          %dma_start3A_645 = arith.constant 0 : i32
          %dma_start3A_646 = arith.constant 0 : i32
          %dma_start3A_647 = tpu.memref_slice %arg2[%dma_start3A_645, %dma_start3A_646] : memref<100000x128xf32, #tpu.memory_space<hbm>> -> memref<100000x128xf32, #tpu.memory_space<hbm>>
          tpu.enqueue_indirect_dma source(%dma_start3A_647 : memref<100000x128xf32, #tpu.memory_space<hbm>>) target(%dma_start3A_641 : memref<128x128xf32, #tpu.memory_space<vmem>>) offsets(%dma_start3A_644 : memref<128xi32, #tpu.memory_space<vmem>>) semaphore(%arg13 : memref<!tpu.dma_semaphore, #tpu.memory_space<semaphore_mem>>)
        } else {
        }
      } else {
      }
      %mul3A_473 = arith.constant 7 : i32
      %mul3A_474 = arith.muli %scan3A_370, %mul3A_473 : i32
      %add3A_475 = arith.constant 3 : i32
      %add3A_476 = arith.addi %mul3A_474, %add3A_475 : i32
      %dma_wait3A_477 = arith.constant 3 : i32
      %dma_wait3A_478 = arith.constant 0 : i32
      %dma_wait3A_479 = arith.constant 0 : i32
      %dma_wait3A_480 = tpu.memref_slice %arg6[%dma_wait3A_477, %dma_wait3A_478, %dma_wait3A_479] : memref<7x128x128xf32, #tpu.memory_space<vmem>> -> memref<1x128x128xf32, #tpu.memory_space<vmem>>
      %dma_wait3A_481 = tpu.memref_squeeze %dma_wait3A_480 : memref<1x128x128xf32, #tpu.memory_space<vmem>> -> memref<128x128xf32, #tpu.memory_space<vmem>>
      %dma_wait3A_482 = arith.constant 0 : i32
      %dma_wait3A_483 = tpu.memref_slice %arg5[%add3A_476, %dma_wait3A_482] : memref<26x128xi32, #tpu.memory_space<vmem>> -> memref<1x128xi32, #tpu.memory_space<vmem>>
      %dma_wait3A_484 = tpu.memref_squeeze %dma_wait3A_483 : memref<1x128xi32, #tpu.memory_space<vmem>> -> memref<128xi32, #tpu.memory_space<vmem>>
      %dma_wait3A_485 = arith.constant 0 : i32
      %dma_wait3A_486 = arith.constant 0 : i32
      %dma_wait3A_487 = tpu.memref_slice %arg2[%dma_wait3A_485, %dma_wait3A_486] : memref<100000x128xf32, #tpu.memory_space<hbm>> -> memref<100000x128xf32, #tpu.memory_space<hbm>>
      tpu.wait_indirect_dma semaphore(%arg10 : memref<!tpu.dma_semaphore, #tpu.memory_space<semaphore_mem>>) src(%dma_wait3A_487 : memref<100000x128xf32, #tpu.memory_space<hbm>>) dst(%dma_wait3A_481 : memref<128x128xf32, #tpu.memory_space<vmem>>)
      %dma_start3A_488 = arith.constant 3 : i32
      %dma_start3A_489 = arith.constant 0 : i32
      %dma_start3A_490 = arith.constant 0 : i32
      %dma_start3A_491 = tpu.memref_slice %arg6[%dma_start3A_488, %dma_start3A_489, %dma_start3A_490] : memref<7x128x128xf32, #tpu.memory_space<vmem>> -> memref<1x128x128xf32, #tpu.memory_space<vmem>>
      %dma_start3A_492 = tpu.memref_squeeze %dma_start3A_491 : memref<1x128x128xf32, #tpu.memory_space<vmem>> -> memref<128x128xf32, #tpu.memory_space<vmem>>
      %dma_start3A_493 = arith.constant 0 : i32
      %dma_start3A_494 = tpu.memref_slice %arg4[%add3A_476, %mul3A_2, %dma_start3A_493] : memref<26x4096x128xf32, #tpu.memory_space<hbm>> -> memref<1x128x128xf32, #tpu.memory_space<hbm>>
      %dma_start3A_495 = tpu.memref_squeeze %dma_start3A_494 : memref<1x128x128xf32, #tpu.memory_space<hbm>> -> memref<128x128xf32, #tpu.memory_space<hbm>>
      %dma_start3A_496 = arith.constant 0 : i32
      %dma_start3A_497 = tpu.memref_slice %arg4[%add3A_476, %mul3A_2, %dma_start3A_496] : memref<26x4096x128xf32, #tpu.memory_space<hbm>> -> memref<1x128x128xf32, #tpu.memory_space<hbm>>
      %dma_start3A_498 = tpu.memref_squeeze %dma_start3A_497 : memref<1x128x128xf32, #tpu.memory_space<hbm>> -> memref<128x128xf32, #tpu.memory_space<hbm>>
      %dma_start3A_499 = arith.constant 0 : i32
      %dma_start3A_500 = arith.constant 0 : i32
      %dma_start3A_501 = tpu.memref_slice %arg6[%dma_start3A_488, %dma_start3A_499, %dma_start3A_500] : memref<7x128x128xf32, #tpu.memory_space<vmem>> -> memref<1x128x128xf32, #tpu.memory_space<vmem>>
      %dma_start3A_502 = tpu.memref_squeeze %dma_start3A_501 : memref<1x128x128xf32, #tpu.memory_space<vmem>> -> memref<128x128xf32, #tpu.memory_space<vmem>>
      tpu.enqueue_dma source(%dma_start3A_502 : memref<128x128xf32, #tpu.memory_space<vmem>>) target(%dma_start3A_498 : memref<128x128xf32, #tpu.memory_space<hbm>>) target_semaphore(%arg17 : memref<!tpu.dma_semaphore, #tpu.memory_space<semaphore_mem>>)
      %ge3A_503 = arith.constant 3 : i32
      %ge3A_504 = arith.cmpi sge, %add3A_476, %ge3A_503 : i32
      %convert_element_type3A_505 = arith.extui %ge3A_504 : i1 to i32
      %cond3A_506 = arith.constant 0 : i32
      %cond3A_507 = arith.cmpi ne, %convert_element_type3A_505, %cond3A_506 : i32
      scf.if %cond3A_507 {
        %sub3A = arith.constant 3 : i32
        %sub3A_613 = arith.subi %add3A_476, %sub3A : i32
        %dma_wait3A_614 = arith.constant 0 : i32
        %dma_wait3A_615 = arith.constant 0 : i32
        %dma_wait3A_616 = arith.constant 0 : i32
        %dma_wait3A_617 = tpu.memref_slice %arg6[%dma_wait3A_614, %dma_wait3A_615, %dma_wait3A_616] : memref<7x128x128xf32, #tpu.memory_space<vmem>> -> memref<1x128x128xf32, #tpu.memory_space<vmem>>
        %dma_wait3A_618 = tpu.memref_squeeze %dma_wait3A_617 : memref<1x128x128xf32, #tpu.memory_space<vmem>> -> memref<128x128xf32, #tpu.memory_space<vmem>>
        %dma_wait3A_619 = arith.constant 0 : i32
        %dma_wait3A_620 = tpu.memref_slice %arg4[%sub3A_613, %mul3A_2, %dma_wait3A_619] : memref<26x4096x128xf32, #tpu.memory_space<hbm>> -> memref<1x128x128xf32, #tpu.memory_space<hbm>>
        %dma_wait3A_621 = tpu.memref_squeeze %dma_wait3A_620 : memref<1x128x128xf32, #tpu.memory_space<hbm>> -> memref<128x128xf32, #tpu.memory_space<hbm>>
        %dma_wait3A_622 = arith.constant 0 : i32
        %dma_wait3A_623 = tpu.memref_slice %arg4[%sub3A_613, %mul3A_2, %dma_wait3A_622] : memref<26x4096x128xf32, #tpu.memory_space<hbm>> -> memref<1x128x128xf32, #tpu.memory_space<hbm>>
        %dma_wait3A_624 = tpu.memref_squeeze %dma_wait3A_623 : memref<1x128x128xf32, #tpu.memory_space<hbm>> -> memref<128x128xf32, #tpu.memory_space<hbm>>
        %dma_wait3A_625 = arith.constant 0 : i32
        %dma_wait3A_626 = arith.constant 0 : i32
        %dma_wait3A_627 = tpu.memref_slice %arg6[%dma_wait3A_614, %dma_wait3A_625, %dma_wait3A_626] : memref<7x128x128xf32, #tpu.memory_space<vmem>> -> memref<1x128x128xf32, #tpu.memory_space<vmem>>
        %dma_wait3A_628 = tpu.memref_squeeze %dma_wait3A_627 : memref<1x128x128xf32, #tpu.memory_space<vmem>> -> memref<128x128xf32, #tpu.memory_space<vmem>>
        tpu.wait_dma2 semaphore(%arg14 : memref<!tpu.dma_semaphore, #tpu.memory_space<semaphore_mem>>) src(%dma_wait3A_628 : memref<128x128xf32, #tpu.memory_space<vmem>>) dst(%dma_wait3A_624 : memref<128x128xf32, #tpu.memory_space<hbm>>)
        %add3A_629 = arith.constant 7 : i32
        %add3A_630 = arith.addi %sub3A_613, %add3A_629 : i32
        %le3A = arith.constant 25 : i32
        %le3A_631 = arith.cmpi sle, %add3A_630, %le3A : i32
        %convert_element_type3A_632 = arith.extui %le3A_631 : i1 to i32
        %cond3A_633 = arith.constant 0 : i32
        %cond3A_634 = arith.cmpi ne, %convert_element_type3A_632, %cond3A_633 : i32
        scf.if %cond3A_634 {
          %add3A_635 = arith.constant 7 : i32
          %add3A_636 = arith.addi %sub3A_613, %add3A_635 : i32
          %dma_start3A_637 = arith.constant 0 : i32
          %dma_start3A_638 = arith.constant 0 : i32
          %dma_start3A_639 = arith.constant 0 : i32
          %dma_start3A_640 = tpu.memref_slice %arg6[%dma_start3A_637, %dma_start3A_638, %dma_start3A_639] : memref<7x128x128xf32, #tpu.memory_space<vmem>> -> memref<1x128x128xf32, #tpu.memory_space<vmem>>
          %dma_start3A_641 = tpu.memref_squeeze %dma_start3A_640 : memref<1x128x128xf32, #tpu.memory_space<vmem>> -> memref<128x128xf32, #tpu.memory_space<vmem>>
          %dma_start3A_642 = arith.constant 0 : i32
          %dma_start3A_643 = tpu.memref_slice %arg5[%add3A_636, %dma_start3A_642] : memref<26x128xi32, #tpu.memory_space<vmem>> -> memref<1x128xi32, #tpu.memory_space<vmem>>
          %dma_start3A_644 = tpu.memref_squeeze %dma_start3A_643 : memref<1x128xi32, #tpu.memory_space<vmem>> -> memref<128xi32, #tpu.memory_space<vmem>>
          %dma_start3A_645 = arith.constant 0 : i32
          %dma_start3A_646 = arith.constant 0 : i32
          %dma_start3A_647 = tpu.memref_slice %arg2[%dma_start3A_645, %dma_start3A_646] : memref<100000x128xf32, #tpu.memory_space<hbm>> -> memref<100000x128xf32, #tpu.memory_space<hbm>>
          tpu.enqueue_indirect_dma source(%dma_start3A_647 : memref<100000x128xf32, #tpu.memory_space<hbm>>) target(%dma_start3A_641 : memref<128x128xf32, #tpu.memory_space<vmem>>) offsets(%dma_start3A_644 : memref<128xi32, #tpu.memory_space<vmem>>) semaphore(%arg7 : memref<!tpu.dma_semaphore, #tpu.memory_space<semaphore_mem>>)
        } else {
        }
      } else {
      }
      %mul3A_508 = arith.constant 7 : i32
      %mul3A_509 = arith.muli %scan3A_370, %mul3A_508 : i32
      %add3A_510 = arith.constant 4 : i32
      %add3A_511 = arith.addi %mul3A_509, %add3A_510 : i32
      %dma_wait3A_512 = arith.constant 4 : i32
      %dma_wait3A_513 = arith.constant 0 : i32
      %dma_wait3A_514 = arith.constant 0 : i32
      %dma_wait3A_515 = tpu.memref_slice %arg6[%dma_wait3A_512, %dma_wait3A_513, %dma_wait3A_514] : memref<7x128x128xf32, #tpu.memory_space<vmem>> -> memref<1x128x128xf32, #tpu.memory_space<vmem>>
      %dma_wait3A_516 = tpu.memref_squeeze %dma_wait3A_515 : memref<1x128x128xf32, #tpu.memory_space<vmem>> -> memref<128x128xf32, #tpu.memory_space<vmem>>
      %dma_wait3A_517 = arith.constant 0 : i32
      %dma_wait3A_518 = tpu.memref_slice %arg5[%add3A_511, %dma_wait3A_517] : memref<26x128xi32, #tpu.memory_space<vmem>> -> memref<1x128xi32, #tpu.memory_space<vmem>>
      %dma_wait3A_519 = tpu.memref_squeeze %dma_wait3A_518 : memref<1x128xi32, #tpu.memory_space<vmem>> -> memref<128xi32, #tpu.memory_space<vmem>>
      %dma_wait3A_520 = arith.constant 0 : i32
      %dma_wait3A_521 = arith.constant 0 : i32
      %dma_wait3A_522 = tpu.memref_slice %arg2[%dma_wait3A_520, %dma_wait3A_521] : memref<100000x128xf32, #tpu.memory_space<hbm>> -> memref<100000x128xf32, #tpu.memory_space<hbm>>
      tpu.wait_indirect_dma semaphore(%arg11 : memref<!tpu.dma_semaphore, #tpu.memory_space<semaphore_mem>>) src(%dma_wait3A_522 : memref<100000x128xf32, #tpu.memory_space<hbm>>) dst(%dma_wait3A_516 : memref<128x128xf32, #tpu.memory_space<vmem>>)
      %dma_start3A_523 = arith.constant 4 : i32
      %dma_start3A_524 = arith.constant 0 : i32
      %dma_start3A_525 = arith.constant 0 : i32
      %dma_start3A_526 = tpu.memref_slice %arg6[%dma_start3A_523, %dma_start3A_524, %dma_start3A_525] : memref<7x128x128xf32, #tpu.memory_space<vmem>> -> memref<1x128x128xf32, #tpu.memory_space<vmem>>
      %dma_start3A_527 = tpu.memref_squeeze %dma_start3A_526 : memref<1x128x128xf32, #tpu.memory_space<vmem>> -> memref<128x128xf32, #tpu.memory_space<vmem>>
      %dma_start3A_528 = arith.constant 0 : i32
      %dma_start3A_529 = tpu.memref_slice %arg4[%add3A_511, %mul3A_2, %dma_start3A_528] : memref<26x4096x128xf32, #tpu.memory_space<hbm>> -> memref<1x128x128xf32, #tpu.memory_space<hbm>>
      %dma_start3A_530 = tpu.memref_squeeze %dma_start3A_529 : memref<1x128x128xf32, #tpu.memory_space<hbm>> -> memref<128x128xf32, #tpu.memory_space<hbm>>
      %dma_start3A_531 = arith.constant 0 : i32
      %dma_start3A_532 = tpu.memref_slice %arg4[%add3A_511, %mul3A_2, %dma_start3A_531] : memref<26x4096x128xf32, #tpu.memory_space<hbm>> -> memref<1x128x128xf32, #tpu.memory_space<hbm>>
      %dma_start3A_533 = tpu.memref_squeeze %dma_start3A_532 : memref<1x128x128xf32, #tpu.memory_space<hbm>> -> memref<128x128xf32, #tpu.memory_space<hbm>>
      %dma_start3A_534 = arith.constant 0 : i32
      %dma_start3A_535 = arith.constant 0 : i32
      %dma_start3A_536 = tpu.memref_slice %arg6[%dma_start3A_523, %dma_start3A_534, %dma_start3A_535] : memref<7x128x128xf32, #tpu.memory_space<vmem>> -> memref<1x128x128xf32, #tpu.memory_space<vmem>>
      %dma_start3A_537 = tpu.memref_squeeze %dma_start3A_536 : memref<1x128x128xf32, #tpu.memory_space<vmem>> -> memref<128x128xf32, #tpu.memory_space<vmem>>
      tpu.enqueue_dma source(%dma_start3A_537 : memref<128x128xf32, #tpu.memory_space<vmem>>) target(%dma_start3A_533 : memref<128x128xf32, #tpu.memory_space<hbm>>) target_semaphore(%arg18 : memref<!tpu.dma_semaphore, #tpu.memory_space<semaphore_mem>>)
      %ge3A_538 = arith.constant 3 : i32
      %ge3A_539 = arith.cmpi sge, %add3A_511, %ge3A_538 : i32
      %convert_element_type3A_540 = arith.extui %ge3A_539 : i1 to i32
      %cond3A_541 = arith.constant 0 : i32
      %cond3A_542 = arith.cmpi ne, %convert_element_type3A_540, %cond3A_541 : i32
      scf.if %cond3A_542 {
        %sub3A = arith.constant 3 : i32
        %sub3A_613 = arith.subi %add3A_511, %sub3A : i32
        %dma_wait3A_614 = arith.constant 1 : i32
        %dma_wait3A_615 = arith.constant 0 : i32
        %dma_wait3A_616 = arith.constant 0 : i32
        %dma_wait3A_617 = tpu.memref_slice %arg6[%dma_wait3A_614, %dma_wait3A_615, %dma_wait3A_616] : memref<7x128x128xf32, #tpu.memory_space<vmem>> -> memref<1x128x128xf32, #tpu.memory_space<vmem>>
        %dma_wait3A_618 = tpu.memref_squeeze %dma_wait3A_617 : memref<1x128x128xf32, #tpu.memory_space<vmem>> -> memref<128x128xf32, #tpu.memory_space<vmem>>
        %dma_wait3A_619 = arith.constant 0 : i32
        %dma_wait3A_620 = tpu.memref_slice %arg4[%sub3A_613, %mul3A_2, %dma_wait3A_619] : memref<26x4096x128xf32, #tpu.memory_space<hbm>> -> memref<1x128x128xf32, #tpu.memory_space<hbm>>
        %dma_wait3A_621 = tpu.memref_squeeze %dma_wait3A_620 : memref<1x128x128xf32, #tpu.memory_space<hbm>> -> memref<128x128xf32, #tpu.memory_space<hbm>>
        %dma_wait3A_622 = arith.constant 0 : i32
        %dma_wait3A_623 = tpu.memref_slice %arg4[%sub3A_613, %mul3A_2, %dma_wait3A_622] : memref<26x4096x128xf32, #tpu.memory_space<hbm>> -> memref<1x128x128xf32, #tpu.memory_space<hbm>>
        %dma_wait3A_624 = tpu.memref_squeeze %dma_wait3A_623 : memref<1x128x128xf32, #tpu.memory_space<hbm>> -> memref<128x128xf32, #tpu.memory_space<hbm>>
        %dma_wait3A_625 = arith.constant 0 : i32
        %dma_wait3A_626 = arith.constant 0 : i32
        %dma_wait3A_627 = tpu.memref_slice %arg6[%dma_wait3A_614, %dma_wait3A_625, %dma_wait3A_626] : memref<7x128x128xf32, #tpu.memory_space<vmem>> -> memref<1x128x128xf32, #tpu.memory_space<vmem>>
        %dma_wait3A_628 = tpu.memref_squeeze %dma_wait3A_627 : memref<1x128x128xf32, #tpu.memory_space<vmem>> -> memref<128x128xf32, #tpu.memory_space<vmem>>
        tpu.wait_dma2 semaphore(%arg15 : memref<!tpu.dma_semaphore, #tpu.memory_space<semaphore_mem>>) src(%dma_wait3A_628 : memref<128x128xf32, #tpu.memory_space<vmem>>) dst(%dma_wait3A_624 : memref<128x128xf32, #tpu.memory_space<hbm>>)
        %add3A_629 = arith.constant 7 : i32
        %add3A_630 = arith.addi %sub3A_613, %add3A_629 : i32
        %le3A = arith.constant 25 : i32
        %le3A_631 = arith.cmpi sle, %add3A_630, %le3A : i32
        %convert_element_type3A_632 = arith.extui %le3A_631 : i1 to i32
        %cond3A_633 = arith.constant 0 : i32
        %cond3A_634 = arith.cmpi ne, %convert_element_type3A_632, %cond3A_633 : i32
        scf.if %cond3A_634 {
          %add3A_635 = arith.constant 7 : i32
          %add3A_636 = arith.addi %sub3A_613, %add3A_635 : i32
          %dma_start3A_637 = arith.constant 1 : i32
          %dma_start3A_638 = arith.constant 0 : i32
          %dma_start3A_639 = arith.constant 0 : i32
          %dma_start3A_640 = tpu.memref_slice %arg6[%dma_start3A_637, %dma_start3A_638, %dma_start3A_639] : memref<7x128x128xf32, #tpu.memory_space<vmem>> -> memref<1x128x128xf32, #tpu.memory_space<vmem>>
          %dma_start3A_641 = tpu.memref_squeeze %dma_start3A_640 : memref<1x128x128xf32, #tpu.memory_space<vmem>> -> memref<128x128xf32, #tpu.memory_space<vmem>>
          %dma_start3A_642 = arith.constant 0 : i32
          %dma_start3A_643 = tpu.memref_slice %arg5[%add3A_636, %dma_start3A_642] : memref<26x128xi32, #tpu.memory_space<vmem>> -> memref<1x128xi32, #tpu.memory_space<vmem>>
          %dma_start3A_644 = tpu.memref_squeeze %dma_start3A_643 : memref<1x128xi32, #tpu.memory_space<vmem>> -> memref<128xi32, #tpu.memory_space<vmem>>
          %dma_start3A_645 = arith.constant 0 : i32
          %dma_start3A_646 = arith.constant 0 : i32
          %dma_start3A_647 = tpu.memref_slice %arg2[%dma_start3A_645, %dma_start3A_646] : memref<100000x128xf32, #tpu.memory_space<hbm>> -> memref<100000x128xf32, #tpu.memory_space<hbm>>
          tpu.enqueue_indirect_dma source(%dma_start3A_647 : memref<100000x128xf32, #tpu.memory_space<hbm>>) target(%dma_start3A_641 : memref<128x128xf32, #tpu.memory_space<vmem>>) offsets(%dma_start3A_644 : memref<128xi32, #tpu.memory_space<vmem>>) semaphore(%arg8 : memref<!tpu.dma_semaphore, #tpu.memory_space<semaphore_mem>>)
        } else {
        }
      } else {
      }
      %mul3A_543 = arith.constant 7 : i32
      %mul3A_544 = arith.muli %scan3A_370, %mul3A_543 : i32
      %add3A_545 = arith.constant 5 : i32
      %add3A_546 = arith.addi %mul3A_544, %add3A_545 : i32
      %dma_wait3A_547 = arith.constant 5 : i32
      %dma_wait3A_548 = arith.constant 0 : i32
      %dma_wait3A_549 = arith.constant 0 : i32
      %dma_wait3A_550 = tpu.memref_slice %arg6[%dma_wait3A_547, %dma_wait3A_548, %dma_wait3A_549] : memref<7x128x128xf32, #tpu.memory_space<vmem>> -> memref<1x128x128xf32, #tpu.memory_space<vmem>>
      %dma_wait3A_551 = tpu.memref_squeeze %dma_wait3A_550 : memref<1x128x128xf32, #tpu.memory_space<vmem>> -> memref<128x128xf32, #tpu.memory_space<vmem>>
      %dma_wait3A_552 = arith.constant 0 : i32
      %dma_wait3A_553 = tpu.memref_slice %arg5[%add3A_546, %dma_wait3A_552] : memref<26x128xi32, #tpu.memory_space<vmem>> -> memref<1x128xi32, #tpu.memory_space<vmem>>
      %dma_wait3A_554 = tpu.memref_squeeze %dma_wait3A_553 : memref<1x128xi32, #tpu.memory_space<vmem>> -> memref<128xi32, #tpu.memory_space<vmem>>
      %dma_wait3A_555 = arith.constant 0 : i32
      %dma_wait3A_556 = arith.constant 0 : i32
      %dma_wait3A_557 = tpu.memref_slice %arg2[%dma_wait3A_555, %dma_wait3A_556] : memref<100000x128xf32, #tpu.memory_space<hbm>> -> memref<100000x128xf32, #tpu.memory_space<hbm>>
      tpu.wait_indirect_dma semaphore(%arg12 : memref<!tpu.dma_semaphore, #tpu.memory_space<semaphore_mem>>) src(%dma_wait3A_557 : memref<100000x128xf32, #tpu.memory_space<hbm>>) dst(%dma_wait3A_551 : memref<128x128xf32, #tpu.memory_space<vmem>>)
      %dma_start3A_558 = arith.constant 5 : i32
      %dma_start3A_559 = arith.constant 0 : i32
      %dma_start3A_560 = arith.constant 0 : i32
      %dma_start3A_561 = tpu.memref_slice %arg6[%dma_start3A_558, %dma_start3A_559, %dma_start3A_560] : memref<7x128x128xf32, #tpu.memory_space<vmem>> -> memref<1x128x128xf32, #tpu.memory_space<vmem>>
      %dma_start3A_562 = tpu.memref_squeeze %dma_start3A_561 : memref<1x128x128xf32, #tpu.memory_space<vmem>> -> memref<128x128xf32, #tpu.memory_space<vmem>>
      %dma_start3A_563 = arith.constant 0 : i32
      %dma_start3A_564 = tpu.memref_slice %arg4[%add3A_546, %mul3A_2, %dma_start3A_563] : memref<26x4096x128xf32, #tpu.memory_space<hbm>> -> memref<1x128x128xf32, #tpu.memory_space<hbm>>
      %dma_start3A_565 = tpu.memref_squeeze %dma_start3A_564 : memref<1x128x128xf32, #tpu.memory_space<hbm>> -> memref<128x128xf32, #tpu.memory_space<hbm>>
      %dma_start3A_566 = arith.constant 0 : i32
      %dma_start3A_567 = tpu.memref_slice %arg4[%add3A_546, %mul3A_2, %dma_start3A_566] : memref<26x4096x128xf32, #tpu.memory_space<hbm>> -> memref<1x128x128xf32, #tpu.memory_space<hbm>>
      %dma_start3A_568 = tpu.memref_squeeze %dma_start3A_567 : memref<1x128x128xf32, #tpu.memory_space<hbm>> -> memref<128x128xf32, #tpu.memory_space<hbm>>
      %dma_start3A_569 = arith.constant 0 : i32
      %dma_start3A_570 = arith.constant 0 : i32
      %dma_start3A_571 = tpu.memref_slice %arg6[%dma_start3A_558, %dma_start3A_569, %dma_start3A_570] : memref<7x128x128xf32, #tpu.memory_space<vmem>> -> memref<1x128x128xf32, #tpu.memory_space<vmem>>
      %dma_start3A_572 = tpu.memref_squeeze %dma_start3A_571 : memref<1x128x128xf32, #tpu.memory_space<vmem>> -> memref<128x128xf32, #tpu.memory_space<vmem>>
      tpu.enqueue_dma source(%dma_start3A_572 : memref<128x128xf32, #tpu.memory_space<vmem>>) target(%dma_start3A_568 : memref<128x128xf32, #tpu.memory_space<hbm>>) target_semaphore(%arg19 : memref<!tpu.dma_semaphore, #tpu.memory_space<semaphore_mem>>)
      %ge3A_573 = arith.constant 3 : i32
      %ge3A_574 = arith.cmpi sge, %add3A_546, %ge3A_573 : i32
      %convert_element_type3A_575 = arith.extui %ge3A_574 : i1 to i32
      %cond3A_576 = arith.constant 0 : i32
      %cond3A_577 = arith.cmpi ne, %convert_element_type3A_575, %cond3A_576 : i32
      scf.if %cond3A_577 {
        %sub3A = arith.constant 3 : i32
        %sub3A_613 = arith.subi %add3A_546, %sub3A : i32
        %dma_wait3A_614 = arith.constant 2 : i32
        %dma_wait3A_615 = arith.constant 0 : i32
        %dma_wait3A_616 = arith.constant 0 : i32
        %dma_wait3A_617 = tpu.memref_slice %arg6[%dma_wait3A_614, %dma_wait3A_615, %dma_wait3A_616] : memref<7x128x128xf32, #tpu.memory_space<vmem>> -> memref<1x128x128xf32, #tpu.memory_space<vmem>>
        %dma_wait3A_618 = tpu.memref_squeeze %dma_wait3A_617 : memref<1x128x128xf32, #tpu.memory_space<vmem>> -> memref<128x128xf32, #tpu.memory_space<vmem>>
        %dma_wait3A_619 = arith.constant 0 : i32
        %dma_wait3A_620 = tpu.memref_slice %arg4[%sub3A_613, %mul3A_2, %dma_wait3A_619] : memref<26x4096x128xf32, #tpu.memory_space<hbm>> -> memref<1x128x128xf32, #tpu.memory_space<hbm>>
        %dma_wait3A_621 = tpu.memref_squeeze %dma_wait3A_620 : memref<1x128x128xf32, #tpu.memory_space<hbm>> -> memref<128x128xf32, #tpu.memory_space<hbm>>
        %dma_wait3A_622 = arith.constant 0 : i32
        %dma_wait3A_623 = tpu.memref_slice %arg4[%sub3A_613, %mul3A_2, %dma_wait3A_622] : memref<26x4096x128xf32, #tpu.memory_space<hbm>> -> memref<1x128x128xf32, #tpu.memory_space<hbm>>
        %dma_wait3A_624 = tpu.memref_squeeze %dma_wait3A_623 : memref<1x128x128xf32, #tpu.memory_space<hbm>> -> memref<128x128xf32, #tpu.memory_space<hbm>>
        %dma_wait3A_625 = arith.constant 0 : i32
        %dma_wait3A_626 = arith.constant 0 : i32
        %dma_wait3A_627 = tpu.memref_slice %arg6[%dma_wait3A_614, %dma_wait3A_625, %dma_wait3A_626] : memref<7x128x128xf32, #tpu.memory_space<vmem>> -> memref<1x128x128xf32, #tpu.memory_space<vmem>>
        %dma_wait3A_628 = tpu.memref_squeeze %dma_wait3A_627 : memref<1x128x128xf32, #tpu.memory_space<vmem>> -> memref<128x128xf32, #tpu.memory_space<vmem>>
        tpu.wait_dma2 semaphore(%arg16 : memref<!tpu.dma_semaphore, #tpu.memory_space<semaphore_mem>>) src(%dma_wait3A_628 : memref<128x128xf32, #tpu.memory_space<vmem>>) dst(%dma_wait3A_624 : memref<128x128xf32, #tpu.memory_space<hbm>>)
        %add3A_629 = arith.constant 7 : i32
        %add3A_630 = arith.addi %sub3A_613, %add3A_629 : i32
        %le3A = arith.constant 25 : i32
        %le3A_631 = arith.cmpi sle, %add3A_630, %le3A : i32
        %convert_element_type3A_632 = arith.extui %le3A_631 : i1 to i32
        %cond3A_633 = arith.constant 0 : i32
        %cond3A_634 = arith.cmpi ne, %convert_element_type3A_632, %cond3A_633 : i32
        scf.if %cond3A_634 {
          %add3A_635 = arith.constant 7 : i32
          %add3A_636 = arith.addi %sub3A_613, %add3A_635 : i32
          %dma_start3A_637 = arith.constant 2 : i32
          %dma_start3A_638 = arith.constant 0 : i32
          %dma_start3A_639 = arith.constant 0 : i32
          %dma_start3A_640 = tpu.memref_slice %arg6[%dma_start3A_637, %dma_start3A_638, %dma_start3A_639] : memref<7x128x128xf32, #tpu.memory_space<vmem>> -> memref<1x128x128xf32, #tpu.memory_space<vmem>>
          %dma_start3A_641 = tpu.memref_squeeze %dma_start3A_640 : memref<1x128x128xf32, #tpu.memory_space<vmem>> -> memref<128x128xf32, #tpu.memory_space<vmem>>
          %dma_start3A_642 = arith.constant 0 : i32
          %dma_start3A_643 = tpu.memref_slice %arg5[%add3A_636, %dma_start3A_642] : memref<26x128xi32, #tpu.memory_space<vmem>> -> memref<1x128xi32, #tpu.memory_space<vmem>>
          %dma_start3A_644 = tpu.memref_squeeze %dma_start3A_643 : memref<1x128xi32, #tpu.memory_space<vmem>> -> memref<128xi32, #tpu.memory_space<vmem>>
          %dma_start3A_645 = arith.constant 0 : i32
          %dma_start3A_646 = arith.constant 0 : i32
          %dma_start3A_647 = tpu.memref_slice %arg2[%dma_start3A_645, %dma_start3A_646] : memref<100000x128xf32, #tpu.memory_space<hbm>> -> memref<100000x128xf32, #tpu.memory_space<hbm>>
          tpu.enqueue_indirect_dma source(%dma_start3A_647 : memref<100000x128xf32, #tpu.memory_space<hbm>>) target(%dma_start3A_641 : memref<128x128xf32, #tpu.memory_space<vmem>>) offsets(%dma_start3A_644 : memref<128xi32, #tpu.memory_space<vmem>>) semaphore(%arg9 : memref<!tpu.dma_semaphore, #tpu.memory_space<semaphore_mem>>)
        } else {
        }
      } else {
      }
      %mul3A_578 = arith.constant 7 : i32
      %mul3A_579 = arith.muli %scan3A_370, %mul3A_578 : i32
      %add3A_580 = arith.constant 6 : i32
      %add3A_581 = arith.addi %mul3A_579, %add3A_580 : i32
      %dma_wait3A_582 = arith.constant 6 : i32
      %dma_wait3A_583 = arith.constant 0 : i32
      %dma_wait3A_584 = arith.constant 0 : i32
      %dma_wait3A_585 = tpu.memref_slice %arg6[%dma_wait3A_582, %dma_wait3A_583, %dma_wait3A_584] : memref<7x128x128xf32, #tpu.memory_space<vmem>> -> memref<1x128x128xf32, #tpu.memory_space<vmem>>
      %dma_wait3A_586 = tpu.memref_squeeze %dma_wait3A_585 : memref<1x128x128xf32, #tpu.memory_space<vmem>> -> memref<128x128xf32, #tpu.memory_space<vmem>>
      %dma_wait3A_587 = arith.constant 0 : i32
      %dma_wait3A_588 = tpu.memref_slice %arg5[%add3A_581, %dma_wait3A_587] : memref<26x128xi32, #tpu.memory_space<vmem>> -> memref<1x128xi32, #tpu.memory_space<vmem>>
      %dma_wait3A_589 = tpu.memref_squeeze %dma_wait3A_588 : memref<1x128xi32, #tpu.memory_space<vmem>> -> memref<128xi32, #tpu.memory_space<vmem>>
      %dma_wait3A_590 = arith.constant 0 : i32
      %dma_wait3A_591 = arith.constant 0 : i32
      %dma_wait3A_592 = tpu.memref_slice %arg2[%dma_wait3A_590, %dma_wait3A_591] : memref<100000x128xf32, #tpu.memory_space<hbm>> -> memref<100000x128xf32, #tpu.memory_space<hbm>>
      tpu.wait_indirect_dma semaphore(%arg13 : memref<!tpu.dma_semaphore, #tpu.memory_space<semaphore_mem>>) src(%dma_wait3A_592 : memref<100000x128xf32, #tpu.memory_space<hbm>>) dst(%dma_wait3A_586 : memref<128x128xf32, #tpu.memory_space<vmem>>)
      %dma_start3A_593 = arith.constant 6 : i32
      %dma_start3A_594 = arith.constant 0 : i32
      %dma_start3A_595 = arith.constant 0 : i32
      %dma_start3A_596 = tpu.memref_slice %arg6[%dma_start3A_593, %dma_start3A_594, %dma_start3A_595] : memref<7x128x128xf32, #tpu.memory_space<vmem>> -> memref<1x128x128xf32, #tpu.memory_space<vmem>>
      %dma_start3A_597 = tpu.memref_squeeze %dma_start3A_596 : memref<1x128x128xf32, #tpu.memory_space<vmem>> -> memref<128x128xf32, #tpu.memory_space<vmem>>
      %dma_start3A_598 = arith.constant 0 : i32
      %dma_start3A_599 = tpu.memref_slice %arg4[%add3A_581, %mul3A_2, %dma_start3A_598] : memref<26x4096x128xf32, #tpu.memory_space<hbm>> -> memref<1x128x128xf32, #tpu.memory_space<hbm>>
      %dma_start3A_600 = tpu.memref_squeeze %dma_start3A_599 : memref<1x128x128xf32, #tpu.memory_space<hbm>> -> memref<128x128xf32, #tpu.memory_space<hbm>>
      %dma_start3A_601 = arith.constant 0 : i32
      %dma_start3A_602 = tpu.memref_slice %arg4[%add3A_581, %mul3A_2, %dma_start3A_601] : memref<26x4096x128xf32, #tpu.memory_space<hbm>> -> memref<1x128x128xf32, #tpu.memory_space<hbm>>
      %dma_start3A_603 = tpu.memref_squeeze %dma_start3A_602 : memref<1x128x128xf32, #tpu.memory_space<hbm>> -> memref<128x128xf32, #tpu.memory_space<hbm>>
      %dma_start3A_604 = arith.constant 0 : i32
      %dma_start3A_605 = arith.constant 0 : i32
      %dma_start3A_606 = tpu.memref_slice %arg6[%dma_start3A_593, %dma_start3A_604, %dma_start3A_605] : memref<7x128x128xf32, #tpu.memory_space<vmem>> -> memref<1x128x128xf32, #tpu.memory_space<vmem>>
      %dma_start3A_607 = tpu.memref_squeeze %dma_start3A_606 : memref<1x128x128xf32, #tpu.memory_space<vmem>> -> memref<128x128xf32, #tpu.memory_space<vmem>>
      tpu.enqueue_dma source(%dma_start3A_607 : memref<128x128xf32, #tpu.memory_space<vmem>>) target(%dma_start3A_603 : memref<128x128xf32, #tpu.memory_space<hbm>>) target_semaphore(%arg20 : memref<!tpu.dma_semaphore, #tpu.memory_space<semaphore_mem>>)
      %ge3A_608 = arith.constant 3 : i32
      %ge3A_609 = arith.cmpi sge, %add3A_581, %ge3A_608 : i32
      %convert_element_type3A_610 = arith.extui %ge3A_609 : i1 to i32
      %cond3A_611 = arith.constant 0 : i32
      %cond3A_612 = arith.cmpi ne, %convert_element_type3A_610, %cond3A_611 : i32
      scf.if %cond3A_612 {
        %sub3A = arith.constant 3 : i32
        %sub3A_613 = arith.subi %add3A_581, %sub3A : i32
        %dma_wait3A_614 = arith.constant 3 : i32
        %dma_wait3A_615 = arith.constant 0 : i32
        %dma_wait3A_616 = arith.constant 0 : i32
        %dma_wait3A_617 = tpu.memref_slice %arg6[%dma_wait3A_614, %dma_wait3A_615, %dma_wait3A_616] : memref<7x128x128xf32, #tpu.memory_space<vmem>> -> memref<1x128x128xf32, #tpu.memory_space<vmem>>
        %dma_wait3A_618 = tpu.memref_squeeze %dma_wait3A_617 : memref<1x128x128xf32, #tpu.memory_space<vmem>> -> memref<128x128xf32, #tpu.memory_space<vmem>>
        %dma_wait3A_619 = arith.constant 0 : i32
        %dma_wait3A_620 = tpu.memref_slice %arg4[%sub3A_613, %mul3A_2, %dma_wait3A_619] : memref<26x4096x128xf32, #tpu.memory_space<hbm>> -> memref<1x128x128xf32, #tpu.memory_space<hbm>>
        %dma_wait3A_621 = tpu.memref_squeeze %dma_wait3A_620 : memref<1x128x128xf32, #tpu.memory_space<hbm>> -> memref<128x128xf32, #tpu.memory_space<hbm>>
        %dma_wait3A_622 = arith.constant 0 : i32
        %dma_wait3A_623 = tpu.memref_slice %arg4[%sub3A_613, %mul3A_2, %dma_wait3A_622] : memref<26x4096x128xf32, #tpu.memory_space<hbm>> -> memref<1x128x128xf32, #tpu.memory_space<hbm>>
        %dma_wait3A_624 = tpu.memref_squeeze %dma_wait3A_623 : memref<1x128x128xf32, #tpu.memory_space<hbm>> -> memref<128x128xf32, #tpu.memory_space<hbm>>
        %dma_wait3A_625 = arith.constant 0 : i32
        %dma_wait3A_626 = arith.constant 0 : i32
        %dma_wait3A_627 = tpu.memref_slice %arg6[%dma_wait3A_614, %dma_wait3A_625, %dma_wait3A_626] : memref<7x128x128xf32, #tpu.memory_space<vmem>> -> memref<1x128x128xf32, #tpu.memory_space<vmem>>
        %dma_wait3A_628 = tpu.memref_squeeze %dma_wait3A_627 : memref<1x128x128xf32, #tpu.memory_space<vmem>> -> memref<128x128xf32, #tpu.memory_space<vmem>>
        tpu.wait_dma2 semaphore(%arg17 : memref<!tpu.dma_semaphore, #tpu.memory_space<semaphore_mem>>) src(%dma_wait3A_628 : memref<128x128xf32, #tpu.memory_space<vmem>>) dst(%dma_wait3A_624 : memref<128x128xf32, #tpu.memory_space<hbm>>)
        %add3A_629 = arith.constant 7 : i32
        %add3A_630 = arith.addi %sub3A_613, %add3A_629 : i32
        %le3A = arith.constant 25 : i32
        %le3A_631 = arith.cmpi sle, %add3A_630, %le3A : i32
        %convert_element_type3A_632 = arith.extui %le3A_631 : i1 to i32
        %cond3A_633 = arith.constant 0 : i32
        %cond3A_634 = arith.cmpi ne, %convert_element_type3A_632, %cond3A_633 : i32
        scf.if %cond3A_634 {
          %add3A_635 = arith.constant 7 : i32
          %add3A_636 = arith.addi %sub3A_613, %add3A_635 : i32
          %dma_start3A_637 = arith.constant 3 : i32
          %dma_start3A_638 = arith.constant 0 : i32
          %dma_start3A_639 = arith.constant 0 : i32
          %dma_start3A_640 = tpu.memref_slice %arg6[%dma_start3A_637, %dma_start3A_638, %dma_start3A_639] : memref<7x128x128xf32, #tpu.memory_space<vmem>> -> memref<1x128x128xf32, #tpu.memory_space<vmem>>
          %dma_start3A_641 = tpu.memref_squeeze %dma_start3A_640 : memref<1x128x128xf32, #tpu.memory_space<vmem>> -> memref<128x128xf32, #tpu.memory_space<vmem>>
          %dma_start3A_642 = arith.constant 0 : i32
          %dma_start3A_643 = tpu.memref_slice %arg5[%add3A_636, %dma_start3A_642] : memref<26x128xi32, #tpu.memory_space<vmem>> -> memref<1x128xi32, #tpu.memory_space<vmem>>
          %dma_start3A_644 = tpu.memref_squeeze %dma_start3A_643 : memref<1x128xi32, #tpu.memory_space<vmem>> -> memref<128xi32, #tpu.memory_space<vmem>>
          %dma_start3A_645 = arith.constant 0 : i32
          %dma_start3A_646 = arith.constant 0 : i32
          %dma_start3A_647 = tpu.memref_slice %arg2[%dma_start3A_645, %dma_start3A_646] : memref<100000x128xf32, #tpu.memory_space<hbm>> -> memref<100000x128xf32, #tpu.memory_space<hbm>>
          tpu.enqueue_indirect_dma source(%dma_start3A_647 : memref<100000x128xf32, #tpu.memory_space<hbm>>) target(%dma_start3A_641 : memref<128x128xf32, #tpu.memory_space<vmem>>) offsets(%dma_start3A_644 : memref<128xi32, #tpu.memory_space<vmem>>) semaphore(%arg10 : memref<!tpu.dma_semaphore, #tpu.memory_space<semaphore_mem>>)
        } else {
        }
      } else {
      }
    }
    %scan3A_90 = arith.constant 3 : i32
    %dma_wait3A = arith.constant 21 : i32
    %dma_wait3A_91 = arith.constant 0 : i32
    %dma_wait3A_92 = arith.constant 0 : i32
    %dma_wait3A_93 = arith.constant 0 : i32
    %dma_wait3A_94 = tpu.memref_slice %arg6[%dma_wait3A_91, %dma_wait3A_92, %dma_wait3A_93] : memref<7x128x128xf32, #tpu.memory_space<vmem>> -> memref<1x128x128xf32, #tpu.memory_space<vmem>>
    %dma_wait3A_95 = tpu.memref_squeeze %dma_wait3A_94 : memref<1x128x128xf32, #tpu.memory_space<vmem>> -> memref<128x128xf32, #tpu.memory_space<vmem>>
    %dma_wait3A_96 = arith.constant 0 : i32
    %dma_wait3A_97 = tpu.memref_slice %arg5[%dma_wait3A, %dma_wait3A_96] : memref<26x128xi32, #tpu.memory_space<vmem>> -> memref<1x128xi32, #tpu.memory_space<vmem>>
    %dma_wait3A_98 = tpu.memref_squeeze %dma_wait3A_97 : memref<1x128xi32, #tpu.memory_space<vmem>> -> memref<128xi32, #tpu.memory_space<vmem>>
    %dma_wait3A_99 = arith.constant 0 : i32
    %dma_wait3A_100 = arith.constant 0 : i32
    %dma_wait3A_101 = tpu.memref_slice %arg2[%dma_wait3A_99, %dma_wait3A_100] : memref<100000x128xf32, #tpu.memory_space<hbm>> -> memref<100000x128xf32, #tpu.memory_space<hbm>>
    tpu.wait_indirect_dma semaphore(%arg7 : memref<!tpu.dma_semaphore, #tpu.memory_space<semaphore_mem>>) src(%dma_wait3A_101 : memref<100000x128xf32, #tpu.memory_space<hbm>>) dst(%dma_wait3A_95 : memref<128x128xf32, #tpu.memory_space<vmem>>)
    %dma_start3A_102 = arith.constant 0 : i32
    %dma_start3A_103 = arith.constant 21 : i32
    %dma_start3A_104 = arith.constant 0 : i32
    %dma_start3A_105 = arith.constant 0 : i32
    %dma_start3A_106 = tpu.memref_slice %arg6[%dma_start3A_102, %dma_start3A_104, %dma_start3A_105] : memref<7x128x128xf32, #tpu.memory_space<vmem>> -> memref<1x128x128xf32, #tpu.memory_space<vmem>>
    %dma_start3A_107 = tpu.memref_squeeze %dma_start3A_106 : memref<1x128x128xf32, #tpu.memory_space<vmem>> -> memref<128x128xf32, #tpu.memory_space<vmem>>
    %dma_start3A_108 = arith.constant 0 : i32
    %dma_start3A_109 = tpu.memref_slice %arg4[%dma_start3A_103, %mul3A_2, %dma_start3A_108] : memref<26x4096x128xf32, #tpu.memory_space<hbm>> -> memref<1x128x128xf32, #tpu.memory_space<hbm>>
    %dma_start3A_110 = tpu.memref_squeeze %dma_start3A_109 : memref<1x128x128xf32, #tpu.memory_space<hbm>> -> memref<128x128xf32, #tpu.memory_space<hbm>>
    %dma_start3A_111 = arith.constant 0 : i32
    %dma_start3A_112 = tpu.memref_slice %arg4[%dma_start3A_103, %mul3A_2, %dma_start3A_111] : memref<26x4096x128xf32, #tpu.memory_space<hbm>> -> memref<1x128x128xf32, #tpu.memory_space<hbm>>
    %dma_start3A_113 = tpu.memref_squeeze %dma_start3A_112 : memref<1x128x128xf32, #tpu.memory_space<hbm>> -> memref<128x128xf32, #tpu.memory_space<hbm>>
    %dma_start3A_114 = arith.constant 0 : i32
    %dma_start3A_115 = arith.constant 0 : i32
    %dma_start3A_116 = tpu.memref_slice %arg6[%dma_start3A_102, %dma_start3A_114, %dma_start3A_115] : memref<7x128x128xf32, #tpu.memory_space<vmem>> -> memref<1x128x128xf32, #tpu.memory_space<vmem>>
    %dma_start3A_117 = tpu.memref_squeeze %dma_start3A_116 : memref<1x128x128xf32, #tpu.memory_space<vmem>> -> memref<128x128xf32, #tpu.memory_space<vmem>>
    tpu.enqueue_dma source(%dma_start3A_117 : memref<128x128xf32, #tpu.memory_space<vmem>>) target(%dma_start3A_113 : memref<128x128xf32, #tpu.memory_space<hbm>>) target_semaphore(%arg14 : memref<!tpu.dma_semaphore, #tpu.memory_space<semaphore_mem>>)
    %dma_wait3A_118 = arith.constant 4 : i32
    %dma_wait3A_119 = arith.constant 18 : i32
    %dma_wait3A_120 = arith.constant 0 : i32
    %dma_wait3A_121 = arith.constant 0 : i32
    %dma_wait3A_122 = tpu.memref_slice %arg6[%dma_wait3A_118, %dma_wait3A_120, %dma_wait3A_121] : memref<7x128x128xf32, #tpu.memory_space<vmem>> -> memref<1x128x128xf32, #tpu.memory_space<vmem>>
    %dma_wait3A_123 = tpu.memref_squeeze %dma_wait3A_122 : memref<1x128x128xf32, #tpu.memory_space<vmem>> -> memref<128x128xf32, #tpu.memory_space<vmem>>
    %dma_wait3A_124 = arith.constant 0 : i32
    %dma_wait3A_125 = tpu.memref_slice %arg4[%dma_wait3A_119, %mul3A_2, %dma_wait3A_124] : memref<26x4096x128xf32, #tpu.memory_space<hbm>> -> memref<1x128x128xf32, #tpu.memory_space<hbm>>
    %dma_wait3A_126 = tpu.memref_squeeze %dma_wait3A_125 : memref<1x128x128xf32, #tpu.memory_space<hbm>> -> memref<128x128xf32, #tpu.memory_space<hbm>>
    %dma_wait3A_127 = arith.constant 0 : i32
    %dma_wait3A_128 = tpu.memref_slice %arg4[%dma_wait3A_119, %mul3A_2, %dma_wait3A_127] : memref<26x4096x128xf32, #tpu.memory_space<hbm>> -> memref<1x128x128xf32, #tpu.memory_space<hbm>>
    %dma_wait3A_129 = tpu.memref_squeeze %dma_wait3A_128 : memref<1x128x128xf32, #tpu.memory_space<hbm>> -> memref<128x128xf32, #tpu.memory_space<hbm>>
    %dma_wait3A_130 = arith.constant 0 : i32
    %dma_wait3A_131 = arith.constant 0 : i32
    %dma_wait3A_132 = tpu.memref_slice %arg6[%dma_wait3A_118, %dma_wait3A_130, %dma_wait3A_131] : memref<7x128x128xf32, #tpu.memory_space<vmem>> -> memref<1x128x128xf32, #tpu.memory_space<vmem>>
    %dma_wait3A_133 = tpu.memref_squeeze %dma_wait3A_132 : memref<1x128x128xf32, #tpu.memory_space<vmem>> -> memref<128x128xf32, #tpu.memory_space<vmem>>
    tpu.wait_dma2 semaphore(%arg18 : memref<!tpu.dma_semaphore, #tpu.memory_space<semaphore_mem>>) src(%dma_wait3A_133 : memref<128x128xf32, #tpu.memory_space<vmem>>) dst(%dma_wait3A_129 : memref<128x128xf32, #tpu.memory_space<hbm>>)
    %dma_start3A_134 = arith.constant 25 : i32
    %dma_start3A_135 = arith.constant 4 : i32
    %dma_start3A_136 = arith.constant 0 : i32
    %dma_start3A_137 = arith.constant 0 : i32
    %dma_start3A_138 = tpu.memref_slice %arg6[%dma_start3A_135, %dma_start3A_136, %dma_start3A_137] : memref<7x128x128xf32, #tpu.memory_space<vmem>> -> memref<1x128x128xf32, #tpu.memory_space<vmem>>
    %dma_start3A_139 = tpu.memref_squeeze %dma_start3A_138 : memref<1x128x128xf32, #tpu.memory_space<vmem>> -> memref<128x128xf32, #tpu.memory_space<vmem>>
    %dma_start3A_140 = arith.constant 0 : i32
    %dma_start3A_141 = tpu.memref_slice %arg5[%dma_start3A_134, %dma_start3A_140] : memref<26x128xi32, #tpu.memory_space<vmem>> -> memref<1x128xi32, #tpu.memory_space<vmem>>
    %dma_start3A_142 = tpu.memref_squeeze %dma_start3A_141 : memref<1x128xi32, #tpu.memory_space<vmem>> -> memref<128xi32, #tpu.memory_space<vmem>>
    %dma_start3A_143 = arith.constant 0 : i32
    %dma_start3A_144 = arith.constant 0 : i32
    %dma_start3A_145 = tpu.memref_slice %arg2[%dma_start3A_143, %dma_start3A_144] : memref<100000x128xf32, #tpu.memory_space<hbm>> -> memref<100000x128xf32, #tpu.memory_space<hbm>>
    tpu.enqueue_indirect_dma source(%dma_start3A_145 : memref<100000x128xf32, #tpu.memory_space<hbm>>) target(%dma_start3A_139 : memref<128x128xf32, #tpu.memory_space<vmem>>) offsets(%dma_start3A_142 : memref<128xi32, #tpu.memory_space<vmem>>) semaphore(%arg11 : memref<!tpu.dma_semaphore, #tpu.memory_space<semaphore_mem>>)
    %dma_wait3A_146 = arith.constant 22 : i32
    %dma_wait3A_147 = arith.constant 1 : i32
    %dma_wait3A_148 = arith.constant 0 : i32
    %dma_wait3A_149 = arith.constant 0 : i32
    %dma_wait3A_150 = tpu.memref_slice %arg6[%dma_wait3A_147, %dma_wait3A_148, %dma_wait3A_149] : memref<7x128x128xf32, #tpu.memory_space<vmem>> -> memref<1x128x128xf32, #tpu.memory_space<vmem>>
    %dma_wait3A_151 = tpu.memref_squeeze %dma_wait3A_150 : memref<1x128x128xf32, #tpu.memory_space<vmem>> -> memref<128x128xf32, #tpu.memory_space<vmem>>
    %dma_wait3A_152 = arith.constant 0 : i32
    %dma_wait3A_153 = tpu.memref_slice %arg5[%dma_wait3A_146, %dma_wait3A_152] : memref<26x128xi32, #tpu.memory_space<vmem>> -> memref<1x128xi32, #tpu.memory_space<vmem>>
    %dma_wait3A_154 = tpu.memref_squeeze %dma_wait3A_153 : memref<1x128xi32, #tpu.memory_space<vmem>> -> memref<128xi32, #tpu.memory_space<vmem>>
    %dma_wait3A_155 = arith.constant 0 : i32
    %dma_wait3A_156 = arith.constant 0 : i32
    %dma_wait3A_157 = tpu.memref_slice %arg2[%dma_wait3A_155, %dma_wait3A_156] : memref<100000x128xf32, #tpu.memory_space<hbm>> -> memref<100000x128xf32, #tpu.memory_space<hbm>>
    tpu.wait_indirect_dma semaphore(%arg8 : memref<!tpu.dma_semaphore, #tpu.memory_space<semaphore_mem>>) src(%dma_wait3A_157 : memref<100000x128xf32, #tpu.memory_space<hbm>>) dst(%dma_wait3A_151 : memref<128x128xf32, #tpu.memory_space<vmem>>)
    %dma_start3A_158 = arith.constant 1 : i32
    %dma_start3A_159 = arith.constant 22 : i32
    %dma_start3A_160 = arith.constant 0 : i32
    %dma_start3A_161 = arith.constant 0 : i32
    %dma_start3A_162 = tpu.memref_slice %arg6[%dma_start3A_158, %dma_start3A_160, %dma_start3A_161] : memref<7x128x128xf32, #tpu.memory_space<vmem>> -> memref<1x128x128xf32, #tpu.memory_space<vmem>>
    %dma_start3A_163 = tpu.memref_squeeze %dma_start3A_162 : memref<1x128x128xf32, #tpu.memory_space<vmem>> -> memref<128x128xf32, #tpu.memory_space<vmem>>
    %dma_start3A_164 = arith.constant 0 : i32
    %dma_start3A_165 = tpu.memref_slice %arg4[%dma_start3A_159, %mul3A_2, %dma_start3A_164] : memref<26x4096x128xf32, #tpu.memory_space<hbm>> -> memref<1x128x128xf32, #tpu.memory_space<hbm>>
    %dma_start3A_166 = tpu.memref_squeeze %dma_start3A_165 : memref<1x128x128xf32, #tpu.memory_space<hbm>> -> memref<128x128xf32, #tpu.memory_space<hbm>>
    %dma_start3A_167 = arith.constant 0 : i32
    %dma_start3A_168 = tpu.memref_slice %arg4[%dma_start3A_159, %mul3A_2, %dma_start3A_167] : memref<26x4096x128xf32, #tpu.memory_space<hbm>> -> memref<1x128x128xf32, #tpu.memory_space<hbm>>
    %dma_start3A_169 = tpu.memref_squeeze %dma_start3A_168 : memref<1x128x128xf32, #tpu.memory_space<hbm>> -> memref<128x128xf32, #tpu.memory_space<hbm>>
    %dma_start3A_170 = arith.constant 0 : i32
    %dma_start3A_171 = arith.constant 0 : i32
    %dma_start3A_172 = tpu.memref_slice %arg6[%dma_start3A_158, %dma_start3A_170, %dma_start3A_171] : memref<7x128x128xf32, #tpu.memory_space<vmem>> -> memref<1x128x128xf32, #tpu.memory_space<vmem>>
    %dma_start3A_173 = tpu.memref_squeeze %dma_start3A_172 : memref<1x128x128xf32, #tpu.memory_space<vmem>> -> memref<128x128xf32, #tpu.memory_space<vmem>>
    tpu.enqueue_dma source(%dma_start3A_173 : memref<128x128xf32, #tpu.memory_space<vmem>>) target(%dma_start3A_169 : memref<128x128xf32, #tpu.memory_space<hbm>>) target_semaphore(%arg15 : memref<!tpu.dma_semaphore, #tpu.memory_space<semaphore_mem>>)
    %dma_wait3A_174 = arith.constant 5 : i32
    %dma_wait3A_175 = arith.constant 19 : i32
    %dma_wait3A_176 = arith.constant 0 : i32
    %dma_wait3A_177 = arith.constant 0 : i32
    %dma_wait3A_178 = tpu.memref_slice %arg6[%dma_wait3A_174, %dma_wait3A_176, %dma_wait3A_177] : memref<7x128x128xf32, #tpu.memory_space<vmem>> -> memref<1x128x128xf32, #tpu.memory_space<vmem>>
    %dma_wait3A_179 = tpu.memref_squeeze %dma_wait3A_178 : memref<1x128x128xf32, #tpu.memory_space<vmem>> -> memref<128x128xf32, #tpu.memory_space<vmem>>
    %dma_wait3A_180 = arith.constant 0 : i32
    %dma_wait3A_181 = tpu.memref_slice %arg4[%dma_wait3A_175, %mul3A_2, %dma_wait3A_180] : memref<26x4096x128xf32, #tpu.memory_space<hbm>> -> memref<1x128x128xf32, #tpu.memory_space<hbm>>
    %dma_wait3A_182 = tpu.memref_squeeze %dma_wait3A_181 : memref<1x128x128xf32, #tpu.memory_space<hbm>> -> memref<128x128xf32, #tpu.memory_space<hbm>>
    %dma_wait3A_183 = arith.constant 0 : i32
    %dma_wait3A_184 = tpu.memref_slice %arg4[%dma_wait3A_175, %mul3A_2, %dma_wait3A_183] : memref<26x4096x128xf32, #tpu.memory_space<hbm>> -> memref<1x128x128xf32, #tpu.memory_space<hbm>>
    %dma_wait3A_185 = tpu.memref_squeeze %dma_wait3A_184 : memref<1x128x128xf32, #tpu.memory_space<hbm>> -> memref<128x128xf32, #tpu.memory_space<hbm>>
    %dma_wait3A_186 = arith.constant 0 : i32
    %dma_wait3A_187 = arith.constant 0 : i32
    %dma_wait3A_188 = tpu.memref_slice %arg6[%dma_wait3A_174, %dma_wait3A_186, %dma_wait3A_187] : memref<7x128x128xf32, #tpu.memory_space<vmem>> -> memref<1x128x128xf32, #tpu.memory_space<vmem>>
    %dma_wait3A_189 = tpu.memref_squeeze %dma_wait3A_188 : memref<1x128x128xf32, #tpu.memory_space<vmem>> -> memref<128x128xf32, #tpu.memory_space<vmem>>
    tpu.wait_dma2 semaphore(%arg19 : memref<!tpu.dma_semaphore, #tpu.memory_space<semaphore_mem>>) src(%dma_wait3A_189 : memref<128x128xf32, #tpu.memory_space<vmem>>) dst(%dma_wait3A_185 : memref<128x128xf32, #tpu.memory_space<hbm>>)
    %dma_wait3A_190 = arith.constant 23 : i32
    %dma_wait3A_191 = arith.constant 2 : i32
    %dma_wait3A_192 = arith.constant 0 : i32
    %dma_wait3A_193 = arith.constant 0 : i32
    %dma_wait3A_194 = tpu.memref_slice %arg6[%dma_wait3A_191, %dma_wait3A_192, %dma_wait3A_193] : memref<7x128x128xf32, #tpu.memory_space<vmem>> -> memref<1x128x128xf32, #tpu.memory_space<vmem>>
    %dma_wait3A_195 = tpu.memref_squeeze %dma_wait3A_194 : memref<1x128x128xf32, #tpu.memory_space<vmem>> -> memref<128x128xf32, #tpu.memory_space<vmem>>
    %dma_wait3A_196 = arith.constant 0 : i32
    %dma_wait3A_197 = tpu.memref_slice %arg5[%dma_wait3A_190, %dma_wait3A_196] : memref<26x128xi32, #tpu.memory_space<vmem>> -> memref<1x128xi32, #tpu.memory_space<vmem>>
    %dma_wait3A_198 = tpu.memref_squeeze %dma_wait3A_197 : memref<1x128xi32, #tpu.memory_space<vmem>> -> memref<128xi32, #tpu.memory_space<vmem>>
    %dma_wait3A_199 = arith.constant 0 : i32
    %dma_wait3A_200 = arith.constant 0 : i32
    %dma_wait3A_201 = tpu.memref_slice %arg2[%dma_wait3A_199, %dma_wait3A_200] : memref<100000x128xf32, #tpu.memory_space<hbm>> -> memref<100000x128xf32, #tpu.memory_space<hbm>>
    tpu.wait_indirect_dma semaphore(%arg9 : memref<!tpu.dma_semaphore, #tpu.memory_space<semaphore_mem>>) src(%dma_wait3A_201 : memref<100000x128xf32, #tpu.memory_space<hbm>>) dst(%dma_wait3A_195 : memref<128x128xf32, #tpu.memory_space<vmem>>)
    %dma_start3A_202 = arith.constant 2 : i32
    %dma_start3A_203 = arith.constant 23 : i32
    %dma_start3A_204 = arith.constant 0 : i32
    %dma_start3A_205 = arith.constant 0 : i32
    %dma_start3A_206 = tpu.memref_slice %arg6[%dma_start3A_202, %dma_start3A_204, %dma_start3A_205] : memref<7x128x128xf32, #tpu.memory_space<vmem>> -> memref<1x128x128xf32, #tpu.memory_space<vmem>>
    %dma_start3A_207 = tpu.memref_squeeze %dma_start3A_206 : memref<1x128x128xf32, #tpu.memory_space<vmem>> -> memref<128x128xf32, #tpu.memory_space<vmem>>
    %dma_start3A_208 = arith.constant 0 : i32
    %dma_start3A_209 = tpu.memref_slice %arg4[%dma_start3A_203, %mul3A_2, %dma_start3A_208] : memref<26x4096x128xf32, #tpu.memory_space<hbm>> -> memref<1x128x128xf32, #tpu.memory_space<hbm>>
    %dma_start3A_210 = tpu.memref_squeeze %dma_start3A_209 : memref<1x128x128xf32, #tpu.memory_space<hbm>> -> memref<128x128xf32, #tpu.memory_space<hbm>>
    %dma_start3A_211 = arith.constant 0 : i32
    %dma_start3A_212 = tpu.memref_slice %arg4[%dma_start3A_203, %mul3A_2, %dma_start3A_211] : memref<26x4096x128xf32, #tpu.memory_space<hbm>> -> memref<1x128x128xf32, #tpu.memory_space<hbm>>
    %dma_start3A_213 = tpu.memref_squeeze %dma_start3A_212 : memref<1x128x128xf32, #tpu.memory_space<hbm>> -> memref<128x128xf32, #tpu.memory_space<hbm>>
    %dma_start3A_214 = arith.constant 0 : i32
    %dma_start3A_215 = arith.constant 0 : i32
    %dma_start3A_216 = tpu.memref_slice %arg6[%dma_start3A_202, %dma_start3A_214, %dma_start3A_215] : memref<7x128x128xf32, #tpu.memory_space<vmem>> -> memref<1x128x128xf32, #tpu.memory_space<vmem>>
    %dma_start3A_217 = tpu.memref_squeeze %dma_start3A_216 : memref<1x128x128xf32, #tpu.memory_space<vmem>> -> memref<128x128xf32, #tpu.memory_space<vmem>>
    tpu.enqueue_dma source(%dma_start3A_217 : memref<128x128xf32, #tpu.memory_space<vmem>>) target(%dma_start3A_213 : memref<128x128xf32, #tpu.memory_space<hbm>>) target_semaphore(%arg16 : memref<!tpu.dma_semaphore, #tpu.memory_space<semaphore_mem>>)
    %dma_wait3A_218 = arith.constant 6 : i32
    %dma_wait3A_219 = arith.constant 20 : i32
    %dma_wait3A_220 = arith.constant 0 : i32
    %dma_wait3A_221 = arith.constant 0 : i32
    %dma_wait3A_222 = tpu.memref_slice %arg6[%dma_wait3A_218, %dma_wait3A_220, %dma_wait3A_221] : memref<7x128x128xf32, #tpu.memory_space<vmem>> -> memref<1x128x128xf32, #tpu.memory_space<vmem>>
    %dma_wait3A_223 = tpu.memref_squeeze %dma_wait3A_222 : memref<1x128x128xf32, #tpu.memory_space<vmem>> -> memref<128x128xf32, #tpu.memory_space<vmem>>
    %dma_wait3A_224 = arith.constant 0 : i32
    %dma_wait3A_225 = tpu.memref_slice %arg4[%dma_wait3A_219, %mul3A_2, %dma_wait3A_224] : memref<26x4096x128xf32, #tpu.memory_space<hbm>> -> memref<1x128x128xf32, #tpu.memory_space<hbm>>
    %dma_wait3A_226 = tpu.memref_squeeze %dma_wait3A_225 : memref<1x128x128xf32, #tpu.memory_space<hbm>> -> memref<128x128xf32, #tpu.memory_space<hbm>>
    %dma_wait3A_227 = arith.constant 0 : i32
    %dma_wait3A_228 = tpu.memref_slice %arg4[%dma_wait3A_219, %mul3A_2, %dma_wait3A_227] : memref<26x4096x128xf32, #tpu.memory_space<hbm>> -> memref<1x128x128xf32, #tpu.memory_space<hbm>>
    %dma_wait3A_229 = tpu.memref_squeeze %dma_wait3A_228 : memref<1x128x128xf32, #tpu.memory_space<hbm>> -> memref<128x128xf32, #tpu.memory_space<hbm>>
    %dma_wait3A_230 = arith.constant 0 : i32
    %dma_wait3A_231 = arith.constant 0 : i32
    %dma_wait3A_232 = tpu.memref_slice %arg6[%dma_wait3A_218, %dma_wait3A_230, %dma_wait3A_231] : memref<7x128x128xf32, #tpu.memory_space<vmem>> -> memref<1x128x128xf32, #tpu.memory_space<vmem>>
    %dma_wait3A_233 = tpu.memref_squeeze %dma_wait3A_232 : memref<1x128x128xf32, #tpu.memory_space<vmem>> -> memref<128x128xf32, #tpu.memory_space<vmem>>
    tpu.wait_dma2 semaphore(%arg20 : memref<!tpu.dma_semaphore, #tpu.memory_space<semaphore_mem>>) src(%dma_wait3A_233 : memref<128x128xf32, #tpu.memory_space<vmem>>) dst(%dma_wait3A_229 : memref<128x128xf32, #tpu.memory_space<hbm>>)
    %dma_wait3A_234 = arith.constant 24 : i32
    %dma_wait3A_235 = arith.constant 3 : i32
    %dma_wait3A_236 = arith.constant 0 : i32
    %dma_wait3A_237 = arith.constant 0 : i32
    %dma_wait3A_238 = tpu.memref_slice %arg6[%dma_wait3A_235, %dma_wait3A_236, %dma_wait3A_237] : memref<7x128x128xf32, #tpu.memory_space<vmem>> -> memref<1x128x128xf32, #tpu.memory_space<vmem>>
    %dma_wait3A_239 = tpu.memref_squeeze %dma_wait3A_238 : memref<1x128x128xf32, #tpu.memory_space<vmem>> -> memref<128x128xf32, #tpu.memory_space<vmem>>
    %dma_wait3A_240 = arith.constant 0 : i32
    %dma_wait3A_241 = tpu.memref_slice %arg5[%dma_wait3A_234, %dma_wait3A_240] : memref<26x128xi32, #tpu.memory_space<vmem>> -> memref<1x128xi32, #tpu.memory_space<vmem>>
    %dma_wait3A_242 = tpu.memref_squeeze %dma_wait3A_241 : memref<1x128xi32, #tpu.memory_space<vmem>> -> memref<128xi32, #tpu.memory_space<vmem>>
    %dma_wait3A_243 = arith.constant 0 : i32
    %dma_wait3A_244 = arith.constant 0 : i32
    %dma_wait3A_245 = tpu.memref_slice %arg2[%dma_wait3A_243, %dma_wait3A_244] : memref<100000x128xf32, #tpu.memory_space<hbm>> -> memref<100000x128xf32, #tpu.memory_space<hbm>>
    tpu.wait_indirect_dma semaphore(%arg10 : memref<!tpu.dma_semaphore, #tpu.memory_space<semaphore_mem>>) src(%dma_wait3A_245 : memref<100000x128xf32, #tpu.memory_space<hbm>>) dst(%dma_wait3A_239 : memref<128x128xf32, #tpu.memory_space<vmem>>)
    %dma_start3A_246 = arith.constant 3 : i32
    %dma_start3A_247 = arith.constant 24 : i32
    %dma_start3A_248 = arith.constant 0 : i32
    %dma_start3A_249 = arith.constant 0 : i32
    %dma_start3A_250 = tpu.memref_slice %arg6[%dma_start3A_246, %dma_start3A_248, %dma_start3A_249] : memref<7x128x128xf32, #tpu.memory_space<vmem>> -> memref<1x128x128xf32, #tpu.memory_space<vmem>>
    %dma_start3A_251 = tpu.memref_squeeze %dma_start3A_250 : memref<1x128x128xf32, #tpu.memory_space<vmem>> -> memref<128x128xf32, #tpu.memory_space<vmem>>
    %dma_start3A_252 = arith.constant 0 : i32
    %dma_start3A_253 = tpu.memref_slice %arg4[%dma_start3A_247, %mul3A_2, %dma_start3A_252] : memref<26x4096x128xf32, #tpu.memory_space<hbm>> -> memref<1x128x128xf32, #tpu.memory_space<hbm>>
    %dma_start3A_254 = tpu.memref_squeeze %dma_start3A_253 : memref<1x128x128xf32, #tpu.memory_space<hbm>> -> memref<128x128xf32, #tpu.memory_space<hbm>>
    %dma_start3A_255 = arith.constant 0 : i32
    %dma_start3A_256 = tpu.memref_slice %arg4[%dma_start3A_247, %mul3A_2, %dma_start3A_255] : memref<26x4096x128xf32, #tpu.memory_space<hbm>> -> memref<1x128x128xf32, #tpu.memory_space<hbm>>
    %dma_start3A_257 = tpu.memref_squeeze %dma_start3A_256 : memref<1x128x128xf32, #tpu.memory_space<hbm>> -> memref<128x128xf32, #tpu.memory_space<hbm>>
    %dma_start3A_258 = arith.constant 0 : i32
    %dma_start3A_259 = arith.constant 0 : i32
    %dma_start3A_260 = tpu.memref_slice %arg6[%dma_start3A_246, %dma_start3A_258, %dma_start3A_259] : memref<7x128x128xf32, #tpu.memory_space<vmem>> -> memref<1x128x128xf32, #tpu.memory_space<vmem>>
    %dma_start3A_261 = tpu.memref_squeeze %dma_start3A_260 : memref<1x128x128xf32, #tpu.memory_space<vmem>> -> memref<128x128xf32, #tpu.memory_space<vmem>>
    tpu.enqueue_dma source(%dma_start3A_261 : memref<128x128xf32, #tpu.memory_space<vmem>>) target(%dma_start3A_257 : memref<128x128xf32, #tpu.memory_space<hbm>>) target_semaphore(%arg17 : memref<!tpu.dma_semaphore, #tpu.memory_space<semaphore_mem>>)
    %dma_wait3A_262 = arith.constant 0 : i32
    %dma_wait3A_263 = arith.constant 21 : i32
    %dma_wait3A_264 = arith.constant 0 : i32
    %dma_wait3A_265 = arith.constant 0 : i32
    %dma_wait3A_266 = tpu.memref_slice %arg6[%dma_wait3A_262, %dma_wait3A_264, %dma_wait3A_265] : memref<7x128x128xf32, #tpu.memory_space<vmem>> -> memref<1x128x128xf32, #tpu.memory_space<vmem>>
    %dma_wait3A_267 = tpu.memref_squeeze %dma_wait3A_266 : memref<1x128x128xf32, #tpu.memory_space<vmem>> -> memref<128x128xf32, #tpu.memory_space<vmem>>
    %dma_wait3A_268 = arith.constant 0 : i32
    %dma_wait3A_269 = tpu.memref_slice %arg4[%dma_wait3A_263, %mul3A_2, %dma_wait3A_268] : memref<26x4096x128xf32, #tpu.memory_space<hbm>> -> memref<1x128x128xf32, #tpu.memory_space<hbm>>
    %dma_wait3A_270 = tpu.memref_squeeze %dma_wait3A_269 : memref<1x128x128xf32, #tpu.memory_space<hbm>> -> memref<128x128xf32, #tpu.memory_space<hbm>>
    %dma_wait3A_271 = arith.constant 0 : i32
    %dma_wait3A_272 = tpu.memref_slice %arg4[%dma_wait3A_263, %mul3A_2, %dma_wait3A_271] : memref<26x4096x128xf32, #tpu.memory_space<hbm>> -> memref<1x128x128xf32, #tpu.memory_space<hbm>>
    %dma_wait3A_273 = tpu.memref_squeeze %dma_wait3A_272 : memref<1x128x128xf32, #tpu.memory_space<hbm>> -> memref<128x128xf32, #tpu.memory_space<hbm>>
    %dma_wait3A_274 = arith.constant 0 : i32
    %dma_wait3A_275 = arith.constant 0 : i32
    %dma_wait3A_276 = tpu.memref_slice %arg6[%dma_wait3A_262, %dma_wait3A_274, %dma_wait3A_275] : memref<7x128x128xf32, #tpu.memory_space<vmem>> -> memref<1x128x128xf32, #tpu.memory_space<vmem>>
    %dma_wait3A_277 = tpu.memref_squeeze %dma_wait3A_276 : memref<1x128x128xf32, #tpu.memory_space<vmem>> -> memref<128x128xf32, #tpu.memory_space<vmem>>
    tpu.wait_dma2 semaphore(%arg14 : memref<!tpu.dma_semaphore, #tpu.memory_space<semaphore_mem>>) src(%dma_wait3A_277 : memref<128x128xf32, #tpu.memory_space<vmem>>) dst(%dma_wait3A_273 : memref<128x128xf32, #tpu.memory_space<hbm>>)
    %dma_wait3A_278 = arith.constant 25 : i32
    %dma_wait3A_279 = arith.constant 4 : i32
    %dma_wait3A_280 = arith.constant 0 : i32
    %dma_wait3A_281 = arith.constant 0 : i32
    %dma_wait3A_282 = tpu.memref_slice %arg6[%dma_wait3A_279, %dma_wait3A_280, %dma_wait3A_281] : memref<7x128x128xf32, #tpu.memory_space<vmem>> -> memref<1x128x128xf32, #tpu.memory_space<vmem>>
    %dma_wait3A_283 = tpu.memref_squeeze %dma_wait3A_282 : memref<1x128x128xf32, #tpu.memory_space<vmem>> -> memref<128x128xf32, #tpu.memory_space<vmem>>
    %dma_wait3A_284 = arith.constant 0 : i32
    %dma_wait3A_285 = tpu.memref_slice %arg5[%dma_wait3A_278, %dma_wait3A_284] : memref<26x128xi32, #tpu.memory_space<vmem>> -> memref<1x128xi32, #tpu.memory_space<vmem>>
    %dma_wait3A_286 = tpu.memref_squeeze %dma_wait3A_285 : memref<1x128xi32, #tpu.memory_space<vmem>> -> memref<128xi32, #tpu.memory_space<vmem>>
    %dma_wait3A_287 = arith.constant 0 : i32
    %dma_wait3A_288 = arith.constant 0 : i32
    %dma_wait3A_289 = tpu.memref_slice %arg2[%dma_wait3A_287, %dma_wait3A_288] : memref<100000x128xf32, #tpu.memory_space<hbm>> -> memref<100000x128xf32, #tpu.memory_space<hbm>>
    tpu.wait_indirect_dma semaphore(%arg11 : memref<!tpu.dma_semaphore, #tpu.memory_space<semaphore_mem>>) src(%dma_wait3A_289 : memref<100000x128xf32, #tpu.memory_space<hbm>>) dst(%dma_wait3A_283 : memref<128x128xf32, #tpu.memory_space<vmem>>)
    %dma_start3A_290 = arith.constant 4 : i32
    %dma_start3A_291 = arith.constant 25 : i32
    %dma_start3A_292 = arith.constant 0 : i32
    %dma_start3A_293 = arith.constant 0 : i32
    %dma_start3A_294 = tpu.memref_slice %arg6[%dma_start3A_290, %dma_start3A_292, %dma_start3A_293] : memref<7x128x128xf32, #tpu.memory_space<vmem>> -> memref<1x128x128xf32, #tpu.memory_space<vmem>>
    %dma_start3A_295 = tpu.memref_squeeze %dma_start3A_294 : memref<1x128x128xf32, #tpu.memory_space<vmem>> -> memref<128x128xf32, #tpu.memory_space<vmem>>
    %dma_start3A_296 = arith.constant 0 : i32
    %dma_start3A_297 = tpu.memref_slice %arg4[%dma_start3A_291, %mul3A_2, %dma_start3A_296] : memref<26x4096x128xf32, #tpu.memory_space<hbm>> -> memref<1x128x128xf32, #tpu.memory_space<hbm>>
    %dma_start3A_298 = tpu.memref_squeeze %dma_start3A_297 : memref<1x128x128xf32, #tpu.memory_space<hbm>> -> memref<128x128xf32, #tpu.memory_space<hbm>>
    %dma_start3A_299 = arith.constant 0 : i32
    %dma_start3A_300 = tpu.memref_slice %arg4[%dma_start3A_291, %mul3A_2, %dma_start3A_299] : memref<26x4096x128xf32, #tpu.memory_space<hbm>> -> memref<1x128x128xf32, #tpu.memory_space<hbm>>
    %dma_start3A_301 = tpu.memref_squeeze %dma_start3A_300 : memref<1x128x128xf32, #tpu.memory_space<hbm>> -> memref<128x128xf32, #tpu.memory_space<hbm>>
    %dma_start3A_302 = arith.constant 0 : i32
    %dma_start3A_303 = arith.constant 0 : i32
    %dma_start3A_304 = tpu.memref_slice %arg6[%dma_start3A_290, %dma_start3A_302, %dma_start3A_303] : memref<7x128x128xf32, #tpu.memory_space<vmem>> -> memref<1x128x128xf32, #tpu.memory_space<vmem>>
    %dma_start3A_305 = tpu.memref_squeeze %dma_start3A_304 : memref<1x128x128xf32, #tpu.memory_space<vmem>> -> memref<128x128xf32, #tpu.memory_space<vmem>>
    tpu.enqueue_dma source(%dma_start3A_305 : memref<128x128xf32, #tpu.memory_space<vmem>>) target(%dma_start3A_301 : memref<128x128xf32, #tpu.memory_space<hbm>>) target_semaphore(%arg18 : memref<!tpu.dma_semaphore, #tpu.memory_space<semaphore_mem>>)
    %dma_wait3A_306 = arith.constant 1 : i32
    %dma_wait3A_307 = arith.constant 22 : i32
    %dma_wait3A_308 = arith.constant 0 : i32
    %dma_wait3A_309 = arith.constant 0 : i32
    %dma_wait3A_310 = tpu.memref_slice %arg6[%dma_wait3A_306, %dma_wait3A_308, %dma_wait3A_309] : memref<7x128x128xf32, #tpu.memory_space<vmem>> -> memref<1x128x128xf32, #tpu.memory_space<vmem>>
    %dma_wait3A_311 = tpu.memref_squeeze %dma_wait3A_310 : memref<1x128x128xf32, #tpu.memory_space<vmem>> -> memref<128x128xf32, #tpu.memory_space<vmem>>
    %dma_wait3A_312 = arith.constant 0 : i32
    %dma_wait3A_313 = tpu.memref_slice %arg4[%dma_wait3A_307, %mul3A_2, %dma_wait3A_312] : memref<26x4096x128xf32, #tpu.memory_space<hbm>> -> memref<1x128x128xf32, #tpu.memory_space<hbm>>
    %dma_wait3A_314 = tpu.memref_squeeze %dma_wait3A_313 : memref<1x128x128xf32, #tpu.memory_space<hbm>> -> memref<128x128xf32, #tpu.memory_space<hbm>>
    %dma_wait3A_315 = arith.constant 0 : i32
    %dma_wait3A_316 = tpu.memref_slice %arg4[%dma_wait3A_307, %mul3A_2, %dma_wait3A_315] : memref<26x4096x128xf32, #tpu.memory_space<hbm>> -> memref<1x128x128xf32, #tpu.memory_space<hbm>>
    %dma_wait3A_317 = tpu.memref_squeeze %dma_wait3A_316 : memref<1x128x128xf32, #tpu.memory_space<hbm>> -> memref<128x128xf32, #tpu.memory_space<hbm>>
    %dma_wait3A_318 = arith.constant 0 : i32
    %dma_wait3A_319 = arith.constant 0 : i32
    %dma_wait3A_320 = tpu.memref_slice %arg6[%dma_wait3A_306, %dma_wait3A_318, %dma_wait3A_319] : memref<7x128x128xf32, #tpu.memory_space<vmem>> -> memref<1x128x128xf32, #tpu.memory_space<vmem>>
    %dma_wait3A_321 = tpu.memref_squeeze %dma_wait3A_320 : memref<1x128x128xf32, #tpu.memory_space<vmem>> -> memref<128x128xf32, #tpu.memory_space<vmem>>
    tpu.wait_dma2 semaphore(%arg15 : memref<!tpu.dma_semaphore, #tpu.memory_space<semaphore_mem>>) src(%dma_wait3A_321 : memref<128x128xf32, #tpu.memory_space<vmem>>) dst(%dma_wait3A_317 : memref<128x128xf32, #tpu.memory_space<hbm>>)
    %dma_wait3A_322 = arith.constant 2 : i32
    %dma_wait3A_323 = arith.constant 23 : i32
    %dma_wait3A_324 = arith.constant 0 : i32
    %dma_wait3A_325 = arith.constant 0 : i32
    %dma_wait3A_326 = tpu.memref_slice %arg6[%dma_wait3A_322, %dma_wait3A_324, %dma_wait3A_325] : memref<7x128x128xf32, #tpu.memory_space<vmem>> -> memref<1x128x128xf32, #tpu.memory_space<vmem>>
    %dma_wait3A_327 = tpu.memref_squeeze %dma_wait3A_326 : memref<1x128x128xf32, #tpu.memory_space<vmem>> -> memref<128x128xf32, #tpu.memory_space<vmem>>
    %dma_wait3A_328 = arith.constant 0 : i32
    %dma_wait3A_329 = tpu.memref_slice %arg4[%dma_wait3A_323, %mul3A_2, %dma_wait3A_328] : memref<26x4096x128xf32, #tpu.memory_space<hbm>> -> memref<1x128x128xf32, #tpu.memory_space<hbm>>
    %dma_wait3A_330 = tpu.memref_squeeze %dma_wait3A_329 : memref<1x128x128xf32, #tpu.memory_space<hbm>> -> memref<128x128xf32, #tpu.memory_space<hbm>>
    %dma_wait3A_331 = arith.constant 0 : i32
    %dma_wait3A_332 = tpu.memref_slice %arg4[%dma_wait3A_323, %mul3A_2, %dma_wait3A_331] : memref<26x4096x128xf32, #tpu.memory_space<hbm>> -> memref<1x128x128xf32, #tpu.memory_space<hbm>>
    %dma_wait3A_333 = tpu.memref_squeeze %dma_wait3A_332 : memref<1x128x128xf32, #tpu.memory_space<hbm>> -> memref<128x128xf32, #tpu.memory_space<hbm>>
    %dma_wait3A_334 = arith.constant 0 : i32
    %dma_wait3A_335 = arith.constant 0 : i32
    %dma_wait3A_336 = tpu.memref_slice %arg6[%dma_wait3A_322, %dma_wait3A_334, %dma_wait3A_335] : memref<7x128x128xf32, #tpu.memory_space<vmem>> -> memref<1x128x128xf32, #tpu.memory_space<vmem>>
    %dma_wait3A_337 = tpu.memref_squeeze %dma_wait3A_336 : memref<1x128x128xf32, #tpu.memory_space<vmem>> -> memref<128x128xf32, #tpu.memory_space<vmem>>
    tpu.wait_dma2 semaphore(%arg16 : memref<!tpu.dma_semaphore, #tpu.memory_space<semaphore_mem>>) src(%dma_wait3A_337 : memref<128x128xf32, #tpu.memory_space<vmem>>) dst(%dma_wait3A_333 : memref<128x128xf32, #tpu.memory_space<hbm>>)
    %dma_wait3A_338 = arith.constant 3 : i32
    %dma_wait3A_339 = arith.constant 24 : i32
    %dma_wait3A_340 = arith.constant 0 : i32
    %dma_wait3A_341 = arith.constant 0 : i32
    %dma_wait3A_342 = tpu.memref_slice %arg6[%dma_wait3A_338, %dma_wait3A_340, %dma_wait3A_341] : memref<7x128x128xf32, #tpu.memory_space<vmem>> -> memref<1x128x128xf32, #tpu.memory_space<vmem>>
    %dma_wait3A_343 = tpu.memref_squeeze %dma_wait3A_342 : memref<1x128x128xf32, #tpu.memory_space<vmem>> -> memref<128x128xf32, #tpu.memory_space<vmem>>
    %dma_wait3A_344 = arith.constant 0 : i32
    %dma_wait3A_345 = tpu.memref_slice %arg4[%dma_wait3A_339, %mul3A_2, %dma_wait3A_344] : memref<26x4096x128xf32, #tpu.memory_space<hbm>> -> memref<1x128x128xf32, #tpu.memory_space<hbm>>
    %dma_wait3A_346 = tpu.memref_squeeze %dma_wait3A_345 : memref<1x128x128xf32, #tpu.memory_space<hbm>> -> memref<128x128xf32, #tpu.memory_space<hbm>>
    %dma_wait3A_347 = arith.constant 0 : i32
    %dma_wait3A_348 = tpu.memref_slice %arg4[%dma_wait3A_339, %mul3A_2, %dma_wait3A_347] : memref<26x4096x128xf32, #tpu.memory_space<hbm>> -> memref<1x128x128xf32, #tpu.memory_space<hbm>>
    %dma_wait3A_349 = tpu.memref_squeeze %dma_wait3A_348 : memref<1x128x128xf32, #tpu.memory_space<hbm>> -> memref<128x128xf32, #tpu.memory_space<hbm>>
    %dma_wait3A_350 = arith.constant 0 : i32
    %dma_wait3A_351 = arith.constant 0 : i32
    %dma_wait3A_352 = tpu.memref_slice %arg6[%dma_wait3A_338, %dma_wait3A_350, %dma_wait3A_351] : memref<7x128x128xf32, #tpu.memory_space<vmem>> -> memref<1x128x128xf32, #tpu.memory_space<vmem>>
    %dma_wait3A_353 = tpu.memref_squeeze %dma_wait3A_352 : memref<1x128x128xf32, #tpu.memory_space<vmem>> -> memref<128x128xf32, #tpu.memory_space<vmem>>
    tpu.wait_dma2 semaphore(%arg17 : memref<!tpu.dma_semaphore, #tpu.memory_space<semaphore_mem>>) src(%dma_wait3A_353 : memref<128x128xf32, #tpu.memory_space<vmem>>) dst(%dma_wait3A_349 : memref<128x128xf32, #tpu.memory_space<hbm>>)
    %dma_wait3A_354 = arith.constant 4 : i32
    %dma_wait3A_355 = arith.constant 25 : i32
    %dma_wait3A_356 = arith.constant 0 : i32
    %dma_wait3A_357 = arith.constant 0 : i32
    %dma_wait3A_358 = tpu.memref_slice %arg6[%dma_wait3A_354, %dma_wait3A_356, %dma_wait3A_357] : memref<7x128x128xf32, #tpu.memory_space<vmem>> -> memref<1x128x128xf32, #tpu.memory_space<vmem>>
    %dma_wait3A_359 = tpu.memref_squeeze %dma_wait3A_358 : memref<1x128x128xf32, #tpu.memory_space<vmem>> -> memref<128x128xf32, #tpu.memory_space<vmem>>
    %dma_wait3A_360 = arith.constant 0 : i32
    %dma_wait3A_361 = tpu.memref_slice %arg4[%dma_wait3A_355, %mul3A_2, %dma_wait3A_360] : memref<26x4096x128xf32, #tpu.memory_space<hbm>> -> memref<1x128x128xf32, #tpu.memory_space<hbm>>
    %dma_wait3A_362 = tpu.memref_squeeze %dma_wait3A_361 : memref<1x128x128xf32, #tpu.memory_space<hbm>> -> memref<128x128xf32, #tpu.memory_space<hbm>>
    %dma_wait3A_363 = arith.constant 0 : i32
    %dma_wait3A_364 = tpu.memref_slice %arg4[%dma_wait3A_355, %mul3A_2, %dma_wait3A_363] : memref<26x4096x128xf32, #tpu.memory_space<hbm>> -> memref<1x128x128xf32, #tpu.memory_space<hbm>>
    %dma_wait3A_365 = tpu.memref_squeeze %dma_wait3A_364 : memref<1x128x128xf32, #tpu.memory_space<hbm>> -> memref<128x128xf32, #tpu.memory_space<hbm>>
    %dma_wait3A_366 = arith.constant 0 : i32
    %dma_wait3A_367 = arith.constant 0 : i32
    %dma_wait3A_368 = tpu.memref_slice %arg6[%dma_wait3A_354, %dma_wait3A_366, %dma_wait3A_367] : memref<7x128x128xf32, #tpu.memory_space<vmem>> -> memref<1x128x128xf32, #tpu.memory_space<vmem>>
    %dma_wait3A_369 = tpu.memref_squeeze %dma_wait3A_368 : memref<1x128x128xf32, #tpu.memory_space<vmem>> -> memref<128x128xf32, #tpu.memory_space<vmem>>
    tpu.wait_dma2 semaphore(%arg18 : memref<!tpu.dma_semaphore, #tpu.memory_space<semaphore_mem>>) src(%dma_wait3A_369 : memref<128x128xf32, #tpu.memory_space<vmem>>) dst(%dma_wait3A_365 : memref<128x128xf32, #tpu.memory_space<hbm>>)
    return
  }
}

</mosaic_0001>

<sc_bundles>
// kernel: kernel.3.cloned.1.call-start
scs
__scs_entry_jumppad:
0x0: {  	(pc) =	sbr.rel $0x88, $3  }
0x1: {  	(tag) =	ssettag $0x0;
	lr =	simm.s32 $0x1  }
0x2: {  	[smem:$0x3F9F] =	sst lr;
	_ =	strace $0xD0000000  }
0x3: {  	_ = 	snop  }
0x4: {  	_ = 	snop  }
0x5: {  	_ = 	snop  }
0x6: {  	_ = 	snop  }
0x7: {  	_ = 	snop  }
__scs_overlays_trampoline_lowered:
0x8: {  	[smem:$0x3FAE] =	sst s0  }
0x9: {  	[smem:$0x3FAF] =	sst s1  }
0xa: {  	[smem:$0x3FB0] =	sst s2  }
0xb: {  	[smem:$0x3FB1] =	sst s3  }
0xc: {  	[smem:$0x3FB2] =	sst s4  }
0xd: {  	[smem:$0x3FB3] =	sst s5  }
0xe: {  	[smem:$0x3FB4] =	sst s6  }
0xf: {  	[smem:$0x3FB5] =	sst s7  }
0x10: {  	[smem:$0x3FB6] =	sst s8  }
0x11: {  	[smem:$0x3FB7] =	sst s9;
	s0 =	simm.s32 @!p0 $0x0  }
0x12: {  	s1 =	sld [smem:$0x3F9D];
	s0 =	simm.s32 @p0 $0x1  }
0x13: {  	[smem:$0x3FB8] =	sst s0;
	s0 =	simm.s32 @!p1 $0x0  }
0x14: {  	s2 =	sld [smem:$0x3F9C];
	s0 =	simm.s32 @p1 $0x1  }
0x15: {  	[smem:$0x3FB9] =	sst s0;
	s0 =	simm.s32 @!p2 $0x0  }
0x16: {  	s3 =	sld [smem:$0x3FDB];
	s0 =	simm.s32 @p2 $0x1  }
0x17: {  	s4 =	simm.s32 $0x1BF5;
	[smem:$0x3FBB] =	sst s0  }
0x18: {  	s0 =	sld [smem:$0x3F9E];
	_ =	swait.ge [sflag:s4], $0x0  }
0x19: {  	s7 =	sld [smem:$0x3F9F]  }
0x1a: {  	s8 =	sadd.s32 $0xFFFFE003, lr  }
0x1b: {  	s9 =	sadd.s32 $0xFFFFFEF7, lr;
	s5 =	simm.s32 $0xFFFFFFFF;
	p2 =	slt.u32 s8, $0xFFFFF086  }
0x1c: {  	p1 =	slt.u32 s9, $0xF7A;
	s5 =	simm.s32 @!p2 $0x0  }
0x1d: {  	s5 =	simm.s32 @p1 $0x1;
	p0 =	seq.s32 s7, s2  }
0x1e: {  	s7 =	smul.u32 @!p0 $0xF7A, s2;
	p2 =	seq.s32 @!p0 s5, $0x0  }
0x1f: {  	s9 =	smul.u32 $0xF7A, s1;
	s8 =	simm.s32 @!p0 $0x1BF5;
	p2 =	por !p2, p0  }
0x20: {  	[sflag:s8] =	ssyncset.s32 @!p0 $0xFFFFF086;
	s6 =	sadd.s32 @!p0 s3, s7;
	s7 =	simm.s32 @!p0 $0x108  }
0x21: {  	s3 =	sadd.s32 s3, s9;
	s6 =	sadd.s32 @!p0 $0x88, s6;
	s7 =	simm.s32 @p2 $0x1082  }
0x22: {  	[simem:s7], [sflag:s8] =	dma.local @!p0 [hbm:s6], $0xF7A  }
0x23: {  	s9 =	sor.u32 $0xD0000000, s2;
	s6 =	simm.s32 $0x108;
	_ =	swait.ge @!p0 [sflag:s8], $0x0  }
0x24: {  	s3 =	sadd.s32 $0x88, s3;
	s6 =	simm.s32 @!p1 $0x1082;
	[sflag:s4] =	ssyncset.s32 $0xFFFFF086  }
0x25: {  	[simem:s6], [sflag:s4] =	dma.local [hbm:s3], $0xF7A  }
0x26: {  	[smem:$0x3F9F] =	sst s1;
	(tag) =	ssettag s2;
	_ =	strace s9  }
0x27: {  	s1 =	sld [smem:$0x3FAF]  }
0x28: {  	s2 =	sld [smem:$0x3FB0]  }
0x29: {  	s4 =	sld [smem:$0x3FB2]  }
0x2a: {  	p0 =	seq.s32 s5, $0x0;
	s5 =	sld [smem:$0x3FB3]  }
0x2b: {  	s6 =	sld [smem:$0x3FB4]  }
0x2c: {  	s7 =	sld [smem:$0x3FB5]  }
0x2d: {  	s3 =	simm.s32 $0x108;
	s8 =	sld [smem:$0x3FB6]  }
0x2e: {  	s3 =	simm.s32 @!p0 $0x1082;
	s9 =	sld [smem:$0x3FB7]  }
0x2f: {  	lr =	sadd.s32 s0, s3;
	s0 =	sld [smem:$0x3FAE]  }
0x30: {  	s3 =	sld [smem:$0x3FB1]  }
0x31: {  	[smem:$0x3FBA] =	sst s10  }
0x32: {  	s10 =	sld [smem:$0x3FB8];
	_ =	sdelay $0x3  }
0x33: {  	p0 =	seq.s32 s10, $0x1;
	s10 =	sld [smem:$0x3FBA];
	_ =	sdelay $0x3  }
0x34: {  	[smem:$0x3FBA] =	sst s10  }
0x35: {  	s10 =	sld [smem:$0x3FB9];
	_ =	sdelay $0x3  }
0x36: {  	p1 =	seq.s32 s10, $0x1;
	s10 =	sld [smem:$0x3FBA];
	_ =	sdelay $0x3  }
0x37: {  	[smem:$0x3FBA] =	sst s10  }
0x38: {  	s10 =	sld [smem:$0x3FBB]  }
0x39: {  	_ = 	snop;
	(pc) =	sbr.ind lr, $3  }
0x3a: {  	_ = 	snop  }
0x3b: {  	_ = 	snop  }
0x3c: {  	p2 =	seq.s32 s10, $0x1;
	s10 =	sld [smem:$0x3FBA]  }
0x3d: {  	_ =	shalt  }
0x3e: {  	_ =	shalt  }
0x3f: {  	_ =	shalt  }
0x40: {  	_ =	shalt  }
0x41: {  	_ =	shalt  }
0x42: {  	_ =	shalt  }
0x43: {  	_ =	shalt  }
0x44: {  	_ =	shalt  }
0x45: {  	_ =	shalt  }
0x46: {  	_ =	shalt  }
0x47: {  	_ =	shalt  }
0x48: {  	_ =	shalt  }
0x49: {  	_ =	shalt  }
0x4a: {  	_ =	shalt  }
0x4b: {  	_ =	shalt  }
0x4c: {  	_ =	shalt  }
0x4d: {  	_ =	shalt  }
0x4e: {  	_ =	shalt  }
0x4f: {  	_ =	shalt  }
0x50: {  	_ =	shalt  }
0x51: {  	_ =	shalt  }
0x52: {  	_ =	shalt  }
0x53: {  	_ =	shalt  }
0x54: {  	_ =	shalt  }
0x55: {  	_ =	shalt  }
0x56: {  	_ =	shalt  }
0x57: {  	_ =	shalt  }
0x58: {  	_ =	shalt  }
0x59: {  	_ =	shalt  }
0x5a: {  	_ =	shalt  }
0x5b: {  	_ =	shalt  }
0x5c: {  	_ =	shalt  }
0x5d: {  	_ =	shalt  }
0x5e: {  	_ =	shalt  }
0x5f: {  	_ =	shalt  }
0x60: {  	_ =	shalt  }
0x61: {  	_ =	shalt  }
0x62: {  	_ =	shalt  }
0x63: {  	_ =	shalt  }
0x64: {  	_ =	shalt  }
0x65: {  	_ =	shalt  }
0x66: {  	_ =	shalt  }
0x67: {  	_ =	shalt  }
0x68: {  	_ =	shalt  }
0x69: {  	_ =	shalt  }
0x6a: {  	_ =	shalt  }
0x6b: {  	_ =	shalt  }
0x6c: {  	_ =	shalt  }
0x6d: {  	_ =	shalt  }
0x6e: {  	_ =	shalt  }
0x6f: {  	_ =	shalt  }
0x70: {  	_ =	shalt  }
0x71: {  	_ =	shalt  }
0x72: {  	_ =	shalt  }
0x73: {  	_ =	shalt  }
0x74: {  	_ =	shalt  }
0x75: {  	_ =	shalt  }
0x76: {  	_ =	shalt  }
0x77: {  	_ =	shalt  }
0x78: {  	_ =	shalt  }
0x79: {  	_ =	shalt  }
0x7a: {  	_ =	shalt  }
0x7b: {  	_ =	shalt  }
0x7c: {  	_ =	shalt  }
0x7d: {  	_ =	shalt  }
0x7e: {  	_ =	shalt  }
0x7f: {  	_ =	shalt  }
0x80: {  	_ =	shalt  }
0x81: {  	_ =	shalt  }
0x82: {  	_ =	shalt  }
0x83: {  	_ =	shalt  }
0x84: {  	_ =	shalt  }
0x85: {  	_ =	shalt  }
0x86: {  	_ =	shalt  }
0x87: {  	_ =	shalt  }
.Lfunc_end0:
.L_simem_size_0:
called_computation_lowered:
.L_overlay_start_0:
0x88: {  	s2 =	sld [smem:$0x3FD9]  }
0x89: {  	s3 =	sld [smem:$0x3FFE];
	_ =	sdelay $0x1  }
0x8a: {  	s1 =	srdreg.scid  }
0x8b: {  	s0 =	sand.u32 $0x1, s1  }
0x8c: {  	s17 =	sshll.u32 s0, $0xA;
	s2 =	sadd.s32 s3, s2  }
0x8d: {  	s2 =	sadd.s32 s2, s17  }
0x8e: {  	[smem:$0x3FC6] =	sst s2  }
0x8f: {  	_ = 	snop  }
0x90: {  	s2 =	sld [smem:$0x3FC8]  }
0x91: {  	s18 =	sld [smem:$0x3FD0];
	(tm) =	ssettm $0x1  }
0x92: {  	s4 =	sld [smem:$0x3FFB];
	_ =	sdelay $0x3  }
0x93: {  	_ =	strace s4  }
0x94: {  	s4 =	sld [smem:$0x3FFC];
	_ =	sdelay $0x3  }
0x95: {  	_ =	strace s4  }
0x96: {  	s4 =	sld [smem:$0x3FFD];
	_ =	sdelay $0x3  }
0x97: {  	_ =	strace s4  }
0x98: {  	_ =	strace $0x8FFFFFFF  }
0x99: {  	s19 =	sld [smem:$0x3FDB];
	_ =	sdelay $0x1  }
0x9a: {  	s5 =	simm.s32 $_scs_section_size  }
0x9b: {  	s6 =	simm.s32 $_size__tile_overlayer_lowered;
	s7 =	simm.s32 $_tile_overlayer_lowered  }
0x9c: {  	s22 =	simm.s32 $0x1BFF;
	s21 =	sshll.u32 s7, $0x1;
	s4 =	sadd.s32 s5, s19  }
0x9d: {  	s8 =	simm.s32 $0x0;
	s20 =	sshll.u32 s6, $0x1;
	s6 =	sadd.s32 s21, s4  }
0x9e: {  	[timem:s8], [sflag:s22] =	dma.local [hbm:s6], s20  }
0x9f: {  	_ =	swait.ge [sflag:s22], s20  }
0xa0: {  	s5 =	ssub.s32 $0x0, s20;
	[sflag:s22] =	ssyncset.done $0x0  }
0xa1: {  	[sflag:s22] =	ssyncadd.s32 s5;
	_ =	sdelay $0x1  }
0xa2: {  	s23 =	simm.s32 $0x1B8B  }
0xa3: {  	_ =	swait.ge [sflag:s23], $0x1  }
0xa4: {  	[sflag:s23] =	ssyncset.done $0x0  }
0xa5: {  	s25 =	simm.s32 $0x1B8E;
	s24 =	sld [smem:$0x3FFE];
	[sflag:s23] =	ssyncadd.s32 $0xFFFFFFFF  }
0xa6: {  	s26 =	simm.s32 $execute0_lowered;
	[smem:$0x3FD2] =	sst s25  }
0xa7: {  	s6 =	sshll.u32 s26, $0x1;
	_ =	strace $0x80000046;
	[dreg:$0x1] =	wrdreg $0xFFFFFFFF  }
0xa8: {  	s28 =	simm.s32 $_size_execute0_lowered;
	s4 =	sadd.s32 s4, s6;
	[dreg:$0x0] =	wrdreg $0x0  }
0xa9: {  	s6 =	sshll.u32 s28, $0x1;
	[dreg:$0x2] =	wrdreg s4  }
0xaa: {  	[dreg:$0x3] =	wrdreg s6  }
0xab: {  	[dreg:$0x4] =	wrdreg $0xC0  }
0xac: {  	_ =	task [dreg:s8], $0x5FFFF  }
0xad: {  	[dreg:$0x1] =	wrdreg $0xFFFFFFFF  }
0xae: {  	[dreg:$0x0] =	wrdreg $0x60  }
0xaf: {  	[dreg:$0x2] =	wrdreg s2  }
0xb0: {  	[dreg:$0x3] =	wrdreg s24  }
0xb1: {  	[dreg:$0x4] =	wrdreg s18  }
0xb2: {  	[dreg:$0x5] =	wrdreg $0x9  }
0xb3: {  	_ =	task.clear_ibuf [dreg:s8], $0x6FFFF;
	_ =	strace $0x90000046  }
0xb4: {  	s29 =	simm.s32 $0x9;
	_ =	strace $0x80000048  }
0xb5: {  	_ =	swait.ge [sflag:s29], $0x1  }
0xb6: {  	[sflag:s29] =	ssyncadd.s32 $0xFFFFFFFF  }
0xb7: {  	_ =	strace $0x90000048  }
0xb8: {  	_ =	sfence  }
0xb9: {  	s30 =	sld [smem:$0x0];
	_ =	sdelay $0x2  }
0xba: {  	s31 =	sshll.u32 s1, $0xD;
	s1 =	sshrl.u32 s1, $0x2  }
0xbb: {  	s3 =	sand.u32 $0x4000, s31;
	s1 =	sadd.s32 s1, s30  }
0xbc: {  	s0 =	sor.u32 s3, s0;
	s1 =	sshll.u32 s1, $0x11  }
0xbd: {  	s0 =	sor.u32 s1, s0  }
0xbe: {  	s0 =	sadd.s32 $0x8F2B, s0  }
0xbf: {  	[sflag:s0] =	ssyncadd.remote.s32 $0x1  }
0xc0: {  	_ =	sfence.sel $0xFFFF  }
0xc1: {  	[dreg:$0x0] =	wrdreg $0xFFFFFFFF;
	(pc) =	sbr.abs _section_cstart, $3  }
0xc2: {  	[dreg:$0x1] =	wrdreg $0xFFFFFFFF  }
0xc3: {  	_ =	task.clear_ibuf [dreg:s8], $0x2FFFF;
	_ =	strace $0x9FFFFFFF  }
0xc4: {  	(tm) =	ssettm $0x7FFFFFFF  }
0xc5: {  	_ =	shalt  }
tec
execute0_lowered:
.L_overlay_start_1:
0x0: {  	(tag) =	ssettag $0x1  }
0x1: {  	s1 =	rddreg [dreg:$0x0]  }
0x2: {  	s0 =	rddreg [dreg:$0x1];
	s2 =	srdreg.scid  }
0x3: {  	s8 =	stileid.u32;
	s4 =	rddreg [dreg:$0x2]  }
0x4: {  	s3 =	simm.s32 $0x0;
	s28 =	simm.s32 $0x4;
	s29 =	simm.s32 $0x8  }
0x5: {  	s30 =	simm.s32 $0x5;
	s31 =	simm.s32 $0x9;
	s2 =	sand.u32 $0x1, s2  }
0x6: {  	s5 =	sshll.u32 s8, $0x1;
	[smem:$0x7FF] =	sst s3;
	s25 =	sshll.u32 s8, $0xF  }
0x7: {  	s5 =	sor.u32 s2, s5;
	s7 =	ssub.s32 $0x2, s2;
	_ =	strace $0x80000047  }
0x8: {  	s2 =	sshll.u32 s2, $0xE;
	s6 =	sshll.u32 s5, $0x9;
	s23 =	sshrl.u32 s7, $0x1  }
0x9: {  	s24 =	sshll.u32 s5, $0xB;
	s2 =	sor.u32 s2, s25;
	s0 =	sadd.s32 s6, s0  }
0xa: {  	s6 =	ssub.s32 s7, s23;
	s11 =	sor.u32 $0x300000, s2;
	s13 =	sor.u32 $0x280000, s2  }
0xb: {  	s14 =	sor.u32 $0x200000, s2;
	s18 =	sor.u32 $0x180000, s2;
	s20 =	sor.u32 $0x100000, s2  }
0xc: {  	s21 =	sor.u32 $0x80000, s2;
	s2 =	sshrl.u32 s2, $0x3;
	s0 =	sadd.s32 $0x400, s0  }
0xd: {  	s12 =	sshrl.u32 s11, $0x3;
	s7 =	sshrl.u32 s13, $0x3;
	s16 =	sshrl.u32 s14, $0x3  }
0xe: {  	s19 =	sshrl.u32 s18, $0x3;
	s2 =	sadd.s32 s2, s4;
	[dreg:$0xc] =	wrdreg s0  }
0xf: {  	s23 =	sshrl.u32 s21, $0x3;
	s5 =	sadd.s32 s12, s4;
	[dreg:$0xb] =	wrdreg s2  }
0x10: {  	s13 =	simm.s32 $0x1000;
	s15 =	sadd.s32 s7, s4;
	[dreg:$0x5] =	wrdreg s5  }
0x11: {  	s14 =	simm.s32 $0x5000;
	s17 =	sadd.s32 s16, s4;
	[dreg:$0x6] =	wrdreg s15  }
0x12: {  	s0 =	sadd.s32 s24, s4;
	s24 =	sadd.s32 s23, s4;
	[dreg:$0x7] =	wrdreg s17  }
0x13: {  	s18 =	simm.s32 $0xD000;
	s26 =	sadd.s32 $0x150000, s0;
	[dreg:$0xa] =	wrdreg s24  }
0x14: {  	s7 =	sshrl.u32 s20, $0x3;
	s8 =	sadd.s32 $0x160000, s0;
	[dreg:$0xd] =	wrdreg s26  }
0x15: {  	s12 =	simm.s32 $0x80;
	s9 =	sadd.s32 $0x170000, s0;
	[dreg:$0xe] =	wrdreg s8  }
0x16: {  	s16 =	simm.s32 $0x9000;
	s10 =	sadd.s32 $0x10000, s0;
	[dreg:$0xf] =	wrdreg s9  }
0x17: {  	s20 =	simm.s32 $0x11000;
	s5 =	sadd.s32 s19, s4;
	[dreg:$0x4] =	wrdreg s10  }
0x18: {  	s2 =	simm.s32 $0x6;
	s22 =	sadd.s32 s7, s4;
	[dreg:$0x8] =	wrdreg s5  }
0x19: {  	s25 =	sadd.s32 $0x180000, s0;
	s0 =	sadd.s32 $0x190000, s0;
	[dreg:$0x9] =	wrdreg s22  }
0x1a: {  	s24 =	simm.s32 $0x19000;
	s15 =	simm.s32 $0x7;
	[dreg:$0x10] =	wrdreg s25  }
0x1b: {  	s17 =	simm.s32 $0xB;
	[dreg:$0x11] =	wrdreg s0;
	s26 =	smax.u32 s6, $0x1  }
0x1c: {  	s22 =	simm.s32 $0x15000;
	s25 =	simm.s32 $0x1;
	s0 =	simm.s32 $0xA  }
0x1d: {  	s6 =	simm.s32 $0x0;
	[dreg:$0x12] =	wrdreg s26;
	s26 =	simm.s32 $0x3  }
.LBB2_1:
0x1e: {  	[dreg:$0x13] =	wrdreg s6  }
0x1f: {  	s4 =	rddreg [dreg:$0xc];
	s9 =	simm.s32 $0xF  }
0x20: {  	[tilespmem:s3], [sflag:$0xF] =	stream.linear.gather [hbm4b:s4+s3], $0xD00, $0x38;
	[tilespmem:$0x1D000] =	vst v63  }
0x21: {  	_ =	swait.ge [sflag:s9], $0xD00  }
0x22: {  	[sflag:s9] =	ssyncset.done $0x0  }
0x23: {  	[sflag:s9] =	ssyncadd.s32 $0xFFFFF300  }
0x24: {  	[tilespmem:s13], [sflag:$0x1] =	stream.indirect.gather [hbm4b:s1+s12], $0x80, s3, s12, $0xb8;
	[tilespmem:$0x1D000] =	vst v63  }
0x25: {  	_ = 	snop  }
0x26: {  	[tilespmem:s14], [sflag:$0x2] =	stream.indirect.gather [hbm4b:s1+s12], $0x80, s12, s12, $0xb8;
	[tilespmem:$0x1D000] =	vst v63  }
0x27: {  	s10 =	simm.s32 $0x100  }
0x28: {  	[tilespmem:s16], [sflag:$0x3] =	stream.indirect.gather [hbm4b:s1+s12], $0x80, s10, s12, $0xb8;
	[tilespmem:$0x1D000] =	vst v63  }
0x29: {  	s11 =	simm.s32 $0x180  }
0x2a: {  	[tilespmem:s18], [sflag:$0x4] =	stream.indirect.gather [hbm4b:s1+s12], $0x80, s11, s12, $0xb8;
	[tilespmem:$0x1D000] =	vst v63  }
0x2b: {  	s19 =	simm.s32 $0x200  }
0x2c: {  	[tilespmem:s20], [sflag:$0x5] =	stream.indirect.gather [hbm4b:s1+s12], $0x80, s19, s12, $0xb8;
	[tilespmem:$0x1D000] =	vst v63  }
0x2d: {  	s21 =	simm.s32 $0x280  }
0x2e: {  	[tilespmem:s22], [sflag:$0x6] =	stream.indirect.gather [hbm4b:s1+s12], $0x80, s21, s12, $0xb8;
	[tilespmem:$0x1D000] =	vst v63  }
0x2f: {  	s23 =	simm.s32 $0x300  }
0x30: {  	[tilespmem:s24], [sflag:$0x7] =	stream.indirect.gather [hbm4b:s1+s12], $0x80, s23, s12, $0xb8;
	[tilespmem:$0x1D000] =	vst v63  }
0x31: {  	_ =	swait.ge [sflag:s25], $0x4000  }
0x32: {  	p0 =	por $0x1, $0x1;
	s4 =	rddreg [dreg:$0xb];
	[sflag:s25] =	ssyncset.done $0x0  }
0x33: {  	s7 =	simm.s32 @p0 $0x2;
	[sflag:s25] =	ssyncadd.s32 $0xFFFFC000;
	s6 =	sadd.s32 $0x0, s4  }
0x34: {  	[hbm4b:s6+s3] =	stream.linear.scatter [tilespmem:s13], [sflag:$0x8], $0x4000, $0x38;
	[tilespmem:$0x1D000] =	vst v63  }
0x35: {  	_ =	swait.ge @p0 [sflag:s7], $0x4000  }
0x36: {  	s8 =	simm.s32 @p0 $0x5000;
	s9 =	simm.s32 @!p0 $0xC;
	[sflag:s7] =	ssyncset.done @p0 $0x0  }
0x37: {  	s6 =	rddreg [dreg:$0x4];
	[sflag:s7] =	ssyncadd.s32 @p0 $0xFFFFC000;
	s7 =	simm.s32 @p0 $0x0  }
0x38: {  	[hbm4b:s6+s7] =	stream.linear.scatter @p0 [tilespmem:s8], [sflag:$0x9], $0x4000, $0x38;
	[tilespmem:$0x1D000] =	vst v63  }
0x39: {  	_ =	swait.ge @!p0 [sflag:s9], $0x4000  }
0x3a: {  	s6 =	simm.s32 @!p0 $0x200;
	s7 =	simm.s32 @!p0 $0x80;
	[sflag:s9] =	ssyncset.done @!p0 $0x0  }
0x3b: {  	s8 =	simm.s32 @!p0 $0x11000;
	[sflag:s9] =	ssyncadd.s32 @!p0 $0xFFFFC000;
	s9 =	simm.s32 @!p0 $0x2  }
0x3c: {  	[tilespmem:s8], [sflag:$0x5] =	stream.indirect.gather @!p0 [hbm4b:s1+s7], $0x80, s6, s7, $0xb8;
	[tilespmem:$0x1D000] =	vst v63  }
0x3d: {  	_ =	swait.ge @!p0 [sflag:s9], $0x4000  }
0x3e: {  	s8 =	simm.s32 @!p0 $0x0;
	s6 =	rddreg [dreg:$0xa];
	[sflag:s9] =	ssyncset.done @!p0 $0x0  }
0x3f: {  	[sflag:s9] =	ssyncadd.s32 @!p0 $0xFFFFC000;
	s9 =	simm.s32 @!p0 $0x5000;
	s6 =	sadd.s32 @!p0 $0x0, s6  }
0x40: {  	[hbm4b:s6+s8] =	stream.linear.scatter @!p0 [tilespmem:s9], [sflag:$0x9], $0x4000, $0x38;
	[tilespmem:$0x1D000] =	vst v63  }
0x41: {  	s6 =	simm.s32 @!p0 $0xD  }
0x42: {  	_ =	swait.ge @!p0 [sflag:s6], $0x4000  }
0x43: {  	[sflag:s6] =	ssyncset.done @!p0 $0x0  }
0x44: {  	s8 =	simm.s32 @!p0 $0x280;
	[sflag:s6] =	ssyncadd.s32 @!p0 $0xFFFFC000;
	s6 =	simm.s32 @!p0 $0x15000  }
0x45: {  	[tilespmem:s6], [sflag:$0x6] =	stream.indirect.gather @!p0 [hbm4b:s1+s7], $0x80, s8, s7, $0xb8;
	[tilespmem:$0x1D000] =	vst v63  }
0x46: {  	_ =	swait.ge [sflag:s26], $0x4000  }
0x47: {  	s5 =	rddreg [dreg:$0x9];
	[sflag:s26] =	ssyncset.done $0x0  }
0x48: {  	s8 =	simm.s32 @!p0 $0xE;
	[sflag:s26] =	ssyncadd.s32 $0xFFFFC000;
	s6 =	sadd.s32 $0x0, s5  }
0x49: {  	[hbm4b:s6+s3] =	stream.linear.scatter [tilespmem:s16], [sflag:$0xA], $0x4000, $0x38;
	[tilespmem:$0x1D000] =	vst v63  }
0x4a: {  	_ =	swait.ge @!p0 [sflag:s8], $0x4000  }
0x4b: {  	[sflag:s8] =	ssyncset.done @!p0 $0x0  }
0x4c: {  	s6 =	simm.s32 @!p0 $0x300;
	[sflag:s8] =	ssyncadd.s32 @!p0 $0xFFFFC000;
	s8 =	simm.s32 @!p0 $0x19000  }
0x4d: {  	[tilespmem:s8], [sflag:$0x7] =	stream.indirect.gather @!p0 [hbm4b:s1+s7], $0x80, s6, s7, $0xb8;
	[tilespmem:$0x1D000] =	vst v63  }
0x4e: {  	_ =	swait.ge [sflag:s28], $0x4000  }
0x4f: {  	s8 =	rddreg [dreg:$0x8];
	[sflag:s28] =	ssyncset.done $0x0  }
0x50: {  	s7 =	simm.s32 $0x0;
	[sflag:s28] =	ssyncadd.s32 $0xFFFFC000;
	s6 =	sadd.s32 $0x0, s8  }
0x51: {  	[hbm4b:s6+s3] =	stream.linear.scatter [tilespmem:s18], [sflag:$0xB], $0x4000, $0x38;
	[tilespmem:$0x1D000] =	vst v63  }
0x52: {  	s7 =	simm.s32 @p0 $0x0;
	_ =	swait.ge [sflag:s29], $0x4000  }
0x53: {  	s7 =	sshra.s32 s7, $0x2;
	[sflag:s29] =	ssyncset.done $0x0  }
0x54: {  	s9 =	sadd.s32 $0x380, s7;
	[sflag:s29] =	ssyncadd.s32 $0xFFFFC000  }
0x55: {  	[tilespmem:s13], [sflag:$0x1] =	stream.indirect.gather [hbm4b:s1+s12], $0x80, s9, s12, $0xb8;
	[tilespmem:$0x1D000] =	vst v63  }
0x56: {  	_ =	swait.ge [sflag:s30], $0x4000  }
0x57: {  	s10 =	rddreg [dreg:$0x7];
	[sflag:s30] =	ssyncset.done $0x0  }
0x58: {  	[sflag:s30] =	ssyncadd.s32 $0xFFFFC000;
	s6 =	sadd.s32 $0x0, s10  }
0x59: {  	[hbm4b:s6+s3] =	stream.linear.scatter [tilespmem:s20], [sflag:$0xC], $0x4000, $0x38;
	[tilespmem:$0x1D000] =	vst v63  }
0x5a: {  	_ =	swait.ge [sflag:s31], $0x4000  }
0x5b: {  	[sflag:s31] =	ssyncset.done $0x0  }
0x5c: {  	s11 =	sadd.s32 $0x400, s7;
	[sflag:s31] =	ssyncadd.s32 $0xFFFFC000  }
0x5d: {  	[tilespmem:s14], [sflag:$0x2] =	stream.indirect.gather [hbm4b:s1+s12], $0x80, s11, s12, $0xb8;
	[tilespmem:$0x1D000] =	vst v63  }
0x5e: {  	_ =	swait.ge [sflag:s2], $0x4000  }
0x5f: {  	s19 =	rddreg [dreg:$0x6];
	[sflag:s2] =	ssyncset.done $0x0  }
0x60: {  	[sflag:s2] =	ssyncadd.s32 $0xFFFFC000;
	s6 =	sadd.s32 $0x0, s19  }
0x61: {  	[hbm4b:s6+s3] =	stream.linear.scatter [tilespmem:s22], [sflag:$0xD], $0x4000, $0x38;
	[tilespmem:$0x1D000] =	vst v63  }
0x62: {  	_ =	swait.ge [sflag:s0], $0x4000  }
0x63: {  	[sflag:s0] =	ssyncset.done $0x0  }
0x64: {  	s21 =	sadd.s32 $0x480, s7;
	[sflag:s0] =	ssyncadd.s32 $0xFFFFC000  }
0x65: {  	[tilespmem:s16], [sflag:$0x3] =	stream.indirect.gather [hbm4b:s1+s12], $0x80, s21, s12, $0xb8;
	[tilespmem:$0x1D000] =	vst v63  }
0x66: {  	_ =	swait.ge [sflag:s15], $0x4000  }
0x67: {  	s23 =	rddreg [dreg:$0x5];
	[sflag:s15] =	ssyncset.done $0x0  }
0x68: {  	[sflag:s15] =	ssyncadd.s32 $0xFFFFC000;
	s6 =	sadd.s32 $0x0, s23  }
0x69: {  	[hbm4b:s6+s3] =	stream.linear.scatter [tilespmem:s24], [sflag:$0xE], $0x4000, $0x38;
	[tilespmem:$0x1D000] =	vst v63  }
0x6a: {  	s5 =	simm.s32 $0x0;
	_ =	swait.ge [sflag:s17], $0x4000  }
0x6b: {  	s9 =	sadd.s32 $0x500, s7;
	s6 =	simm.s32 $0x70000;
	[sflag:s17] =	ssyncset.done $0x0  }
.LBB2_2:
0x6c: {  	[sflag:s17] =	ssyncadd.s32 $0xFFFFC000  }
0x6d: {  	[tilespmem:s18], [sflag:$0x4] =	stream.indirect.gather [hbm4b:s1+s12], $0x80, s9, s12, $0xb8;
	[tilespmem:$0x1D000] =	vst v63  }
0x6e: {  	s5 =	sadd.s32 $0xE00, s5;
	s8 =	smov.u32 s6;
	_ =	swait.ge [sflag:s25], $0x4000  }
0x6f: {  	p1 =	seq.s32 s8, $0x0;
	s19 =	rddreg [dreg:$0xb];
	[sflag:s25] =	ssyncset.done $0x0  }
0x70: {  	s11 =	simm.s32 @p1 $0x2;
	[sflag:s25] =	ssyncadd.s32 $0xFFFFC000;
	s9 =	sadd.s32 s8, s19  }
0x71: {  	[hbm4b:s9+s3] =	stream.linear.scatter [tilespmem:s13], [sflag:$0x8], $0x4000, $0x38;
	[tilespmem:$0x1D000] =	vst v63  }
0x72: {  	s7 =	smov.u32 s5;
	s10 =	sshra.s32 @!p1 s5, $0x2;
	_ =	swait.ge @p1 [sflag:s11], $0x4000  }
0x73: {  	s4 =	simm.s32 @p1 $0x5000;
	s19 =	simm.s32 @!p1 $0xC;
	[sflag:s11] =	ssyncset.done @p1 $0x0  }
0x74: {  	s9 =	rddreg [dreg:$0x4];
	[sflag:s11] =	ssyncadd.s32 @p1 $0xFFFFC000;
	s11 =	simm.s32 @p1 $0x0  }
0x75: {  	[hbm4b:s9+s11] =	stream.linear.scatter @p1 [tilespmem:s4], [sflag:$0x9], $0x4000, $0x38;
	[tilespmem:$0x1D000] =	vst v63  }
0x76: {  	s7 =	simm.s32 @p1 $0x0;
	s23 =	sadd.s32 @!p1 $0x200, s10;
	_ =	swait.ge @!p1 [sflag:s19], $0x4000  }
0x77: {  	s9 =	sshra.s32 s7, $0x2;
	s4 =	simm.s32 @!p1 $0x80;
	[sflag:s19] =	ssyncset.done @!p1 $0x0  }
0x78: {  	s7 =	simm.s32 @!p1 $0x11000;
	s11 =	simm.s32 @!p1 $0x2;
	[sflag:s19] =	ssyncadd.s32 @!p1 $0xFFFFC000  }
0x79: {  	[tilespmem:s7], [sflag:$0x5] =	stream.indirect.gather @!p1 [hbm4b:s1+s4], $0x80, s23, s4, $0xb8;
	[tilespmem:$0x1D000] =	vst v63  }
0x7a: {  	s19 =	simm.s32 @!p1 $0x5000;
	_ =	swait.ge @!p1 [sflag:s11], $0x4000  }
0x7b: {  	s23 =	simm.s32 @!p1 $0xD;
	[sflag:s11] =	ssyncset.done @!p1 $0x0;
	s7 =	rddreg [dreg:$0xa]  }
0x7c: {  	[sflag:s11] =	ssyncadd.s32 @!p1 $0xFFFFC000;
	s11 =	simm.s32 @!p1 $0x0;
	s7 =	sadd.s32 @!p1 s8, s7  }
0x7d: {  	[hbm4b:s7+s11] =	stream.linear.scatter @!p1 [tilespmem:s19], [sflag:$0x9], $0x4000, $0x38;
	[tilespmem:$0x1D000] =	vst v63  }
0x7e: {  	_ =	swait.ge @!p1 [sflag:s23], $0x4000  }
0x7f: {  	[sflag:s23] =	ssyncset.done @!p1 $0x0  }
0x80: {  	s21 =	sadd.s32 @!p1 $0x280, s10;
	s7 =	simm.s32 @!p1 $0x15000;
	[sflag:s23] =	ssyncadd.s32 @!p1 $0xFFFFC000  }
0x81: {  	[tilespmem:s7], [sflag:$0x6] =	stream.indirect.gather @!p1 [hbm4b:s1+s4], $0x80, s21, s4, $0xb8;
	[tilespmem:$0x1D000] =	vst v63  }
0x82: {  	_ =	swait.ge [sflag:s26], $0x4000  }
0x83: {  	s21 =	rddreg [dreg:$0x9];
	[sflag:s26] =	ssyncset.done $0x0  }
0x84: {  	s11 =	simm.s32 @!p1 $0xE;
	[sflag:s26] =	ssyncadd.s32 $0xFFFFC000;
	s7 =	sadd.s32 s8, s21  }
0x85: {  	[hbm4b:s7+s3] =	stream.linear.scatter [tilespmem:s16], [sflag:$0xA], $0x4000, $0x38;
	[tilespmem:$0x1D000] =	vst v63  }
0x86: {  	_ =	swait.ge @!p1 [sflag:s11], $0x4000  }
0x87: {  	[sflag:s11] =	ssyncset.done @!p1 $0x0  }
0x88: {  	s10 =	sadd.s32 @!p1 $0x300, s10;
	s7 =	simm.s32 @!p1 $0x19000;
	[sflag:s11] =	ssyncadd.s32 @!p1 $0xFFFFC000  }
0x89: {  	[tilespmem:s7], [sflag:$0x7] =	stream.indirect.gather @!p1 [hbm4b:s1+s4], $0x80, s10, s4, $0xb8;
	[tilespmem:$0x1D000] =	vst v63  }
0x8a: {  	_ =	swait.ge [sflag:s28], $0x4000  }
0x8b: {  	s23 =	rddreg [dreg:$0x8];
	[sflag:s28] =	ssyncset.done $0x0  }
0x8c: {  	[sflag:s28] =	ssyncadd.s32 $0xFFFFC000;
	s4 =	sadd.s32 s8, s23  }
0x8d: {  	[hbm4b:s4+s3] =	stream.linear.scatter [tilespmem:s18], [sflag:$0xB], $0x4000, $0x38;
	[tilespmem:$0x1D000] =	vst v63  }
0x8e: {  	_ =	swait.ge [sflag:s29], $0x4000  }
0x8f: {  	[sflag:s29] =	ssyncset.done $0x0  }
0x90: {  	s7 =	sadd.s32 $0x380, s9;
	[sflag:s29] =	ssyncadd.s32 $0xFFFFC000  }
0x91: {  	[tilespmem:s13], [sflag:$0x1] =	stream.indirect.gather [hbm4b:s1+s12], $0x80, s7, s12, $0xb8;
	[tilespmem:$0x1D000] =	vst v63  }
0x92: {  	_ =	swait.ge [sflag:s30], $0x4000  }
0x93: {  	s10 =	rddreg [dreg:$0x7];
	[sflag:s30] =	ssyncset.done $0x0  }
0x94: {  	[sflag:s30] =	ssyncadd.s32 $0xFFFFC000;
	s4 =	sadd.s32 s8, s10  }
0x95: {  	[hbm4b:s4+s3] =	stream.linear.scatter [tilespmem:s20], [sflag:$0xC], $0x4000, $0x38;
	[tilespmem:$0x1D000] =	vst v63  }
0x96: {  	_ =	swait.ge [sflag:s31], $0x4000  }
0x97: {  	[sflag:s31] =	ssyncset.done $0x0  }
0x98: {  	s11 =	sadd.s32 $0x400, s9;
	[sflag:s31] =	ssyncadd.s32 $0xFFFFC000  }
0x99: {  	[tilespmem:s14], [sflag:$0x2] =	stream.indirect.gather [hbm4b:s1+s12], $0x80, s11, s12, $0xb8;
	[tilespmem:$0x1D000] =	vst v63  }
0x9a: {  	_ =	swait.ge [sflag:s2], $0x4000  }
0x9b: {  	s19 =	rddreg [dreg:$0x6];
	[sflag:s2] =	ssyncset.done $0x0  }
0x9c: {  	[sflag:s2] =	ssyncadd.s32 $0xFFFFC000;
	s4 =	sadd.s32 s8, s19  }
0x9d: {  	[hbm4b:s4+s3] =	stream.linear.scatter [tilespmem:s22], [sflag:$0xD], $0x4000, $0x38;
	[tilespmem:$0x1D000] =	vst v63  }
0x9e: {  	_ =	swait.ge [sflag:s0], $0x4000  }
0x9f: {  	[sflag:s0] =	ssyncset.done $0x0  }
0xa0: {  	s6 =	sadd.s32 $0x70000, s6;
	s21 =	sadd.s32 $0x480, s9;
	[sflag:s0] =	ssyncadd.s32 $0xFFFFC000  }
0xa1: {  	[tilespmem:s16], [sflag:$0x3] =	stream.indirect.gather [hbm4b:s1+s12], $0x80, s21, s12, $0xb8;
	[tilespmem:$0x1D000] =	vst v63  }
0xa2: {  	p0 =	sne.s32 s6, $0x150000;
	_ =	swait.ge [sflag:s15], $0x4000  }
.Ltmp0:
0xa3: {  	s23 =	rddreg [dreg:$0x5];
	[sflag:s15] =	ssyncset.done $0x0;
	(pc) =	sbr.rel @p0 .LBB2_2-.Ltmp0, $4  }
0xa4: {  	[sflag:s15] =	ssyncadd.s32 $0xFFFFC000;
	s4 =	sadd.s32 s8, s23  }
0xa5: {  	[hbm4b:s4+s3] =	stream.linear.scatter [tilespmem:s24], [sflag:$0xE], $0x4000, $0x38;
	[tilespmem:$0x1D000] =	vst v63  }
0xa6: {  	_ =	swait.ge [sflag:s17], $0x4000  }
0xa7: {  	s9 =	sadd.s32 $0x500, s9;
	[sflag:s17] =	ssyncset.done $0x0  }
0xa8: {  	[sflag:s17] =	ssyncadd.s32 $0xFFFFC000  }
0xa9: {  	[tilespmem:s18], [sflag:$0x4] =	stream.indirect.gather [hbm4b:s1+s12], $0x80, s9, s12, $0xb8;
	[tilespmem:$0x1D000] =	vst v63  }
0xaa: {  	_ =	swait.ge [sflag:s25], $0x4000  }
0xab: {  	[sflag:s25] =	ssyncset.done $0x0  }
0xac: {  	s5 =	simm.s32 $0xC;
	s4 =	rddreg [dreg:$0xd];
	[sflag:s25] =	ssyncadd.s32 $0xFFFFC000  }
0xad: {  	[hbm4b:s4+s3] =	stream.linear.scatter [tilespmem:s13], [sflag:$0x8], $0x4000, $0x38;
	[tilespmem:$0x1D000] =	vst v63  }
0xae: {  	_ =	swait.ge [sflag:s5], $0x4000  }
0xaf: {  	[sflag:s5] =	ssyncset.done $0x0  }
0xb0: {  	s6 =	simm.s32 $0xC80;
	s7 =	simm.s32 $0x2;
	[sflag:s5] =	ssyncadd.s32 $0xFFFFC000  }
0xb1: {  	[tilespmem:s20], [sflag:$0x5] =	stream.indirect.gather [hbm4b:s1+s12], $0x80, s6, s12, $0xb8;
	[tilespmem:$0x1D000] =	vst v63  }
0xb2: {  	_ =	swait.ge [sflag:s7], $0x4000  }
0xb3: {  	[sflag:s7] =	ssyncset.done $0x0  }
0xb4: {  	s9 =	simm.s32 $0xD;
	s8 =	rddreg [dreg:$0xe];
	[sflag:s7] =	ssyncadd.s32 $0xFFFFC000  }
0xb5: {  	[hbm4b:s8+s3] =	stream.linear.scatter [tilespmem:s14], [sflag:$0x9], $0x4000, $0x38;
	[tilespmem:$0x1D000] =	vst v63  }
0xb6: {  	_ =	swait.ge [sflag:s9], $0x4000  }
0xb7: {  	[sflag:s9] =	ssyncset.done $0x0  }
0xb8: {  	[sflag:s9] =	ssyncadd.s32 $0xFFFFC000  }
0xb9: {  	_ =	swait.ge [sflag:s26], $0x4000  }
0xba: {  	[sflag:s26] =	ssyncset.done $0x0  }
0xbb: {  	s11 =	simm.s32 $0xE;
	s10 =	rddreg [dreg:$0xf];
	[sflag:s26] =	ssyncadd.s32 $0xFFFFC000  }
0xbc: {  	[hbm4b:s10+s3] =	stream.linear.scatter [tilespmem:s16], [sflag:$0xA], $0x4000, $0x38;
	[tilespmem:$0x1D000] =	vst v63  }
0xbd: {  	_ =	swait.ge [sflag:s11], $0x4000  }
0xbe: {  	[sflag:s11] =	ssyncset.done $0x0  }
0xbf: {  	[sflag:s11] =	ssyncadd.s32 $0xFFFFC000  }
0xc0: {  	_ =	swait.ge [sflag:s28], $0x4000  }
0xc1: {  	[sflag:s28] =	ssyncset.done $0x0  }
0xc2: {  	s19 =	rddreg [dreg:$0x10];
	[sflag:s28] =	ssyncadd.s32 $0xFFFFC000  }
0xc3: {  	[hbm4b:s19+s3] =	stream.linear.scatter [tilespmem:s18], [sflag:$0xB], $0x4000, $0x38;
	[tilespmem:$0x1D000] =	vst v63  }
0xc4: {  	_ =	swait.ge [sflag:s29], $0x4000  }
0xc5: {  	[sflag:s29] =	ssyncset.done $0x0  }
0xc6: {  	[sflag:s29] =	ssyncadd.s32 $0xFFFFC000  }
0xc7: {  	_ =	swait.ge [sflag:s30], $0x4000  }
0xc8: {  	[sflag:s30] =	ssyncset.done $0x0  }
0xc9: {  	s21 =	rddreg [dreg:$0x11];
	[sflag:s30] =	ssyncadd.s32 $0xFFFFC000  }
0xca: {  	[hbm4b:s21+s3] =	stream.linear.scatter [tilespmem:s20], [sflag:$0xC], $0x4000, $0x38;
	[tilespmem:$0x1D000] =	vst v63  }
0xcb: {  	_ =	swait.ge [sflag:s31], $0x4000  }
0xcc: {  	[sflag:s31] =	ssyncset.done $0x0  }
0xcd: {  	[sflag:s31] =	ssyncadd.s32 $0xFFFFC000  }
0xce: {  	_ =	swait.ge [sflag:s0], $0x4000  }
0xcf: {  	[sflag:s0] =	ssyncset.done $0x0  }
0xd0: {  	[sflag:s0] =	ssyncadd.s32 $0xFFFFC000  }
0xd1: {  	_ =	swait.ge [sflag:s17], $0x4000  }
0xd2: {  	[sflag:s17] =	ssyncset.done $0x0  }
0xd3: {  	[sflag:s17] =	ssyncadd.s32 $0xFFFFC000  }
0xd4: {  	_ =	swait.ge [sflag:s5], $0x4000  }
0xd5: {  	s6 =	rddreg [dreg:$0x13]  }
0xd6: {  	s23 =	rddreg [dreg:$0x12];
	s6 =	sadd.s32 $0x1, s6  }
0xd7: {  	p0 =	sne.s32 s6, s23  }
.Ltmp1:
0xd8: {  	_ = 	snop;
	(pc) =	sbr.rel @p0 .LBB2_1-.Ltmp1, $3  }
0xd9: {  	_ =	sdelay $0x1  }
0xda: {  	[sflag:s5] =	ssyncset.done $0x0  }
0xdb: {  	[sflag:s5] =	ssyncadd.s32 $0xFFFFC000  }
0xdc: {  	_ =	sfence.sel $0x180000  }
0xdd: {  	[bflag:$0x0] =	sbarrier.arrive $0xFFFF  }
0xde: {  	_ =	strace $0x90000047  }
0xdf: {  	s0 =	stileid.u32;
	[bflag:$0x2] =	sbarrier.arrive $0xFFFF  }
0xe0: {  	p0 =	sne.s32 s0, $0x0;
	s0 =	rddreg [dreg:$0x3]  }
0xe1: {  	s0 =	sadd.s32 @!p0 $0x100000, s0  }
0xe2: {  	[sflag:s0] =	ssyncadd.tile.s32 @!p0 $0x1;
	_ =	shalt  }
.Lfunc_end2:
_tile_overlayer_lowered:
.L_overlay_start_2:
0xe3: {  	(tag) =	ssettag $0x2  }
0xe4: {  	s0 =	rddreg [dreg:$0x0];
	s2 =	stileid.u32  }
0xe5: {  	s1 =	rddreg [dreg:$0x1];
	p0 =	sne.s32 s2, $0x0  }
0xe6: {  	s3 =	rddreg [dreg:$0x2];
	[bflag:$0x3] =	sbarrier.arrive $0xFFFF;
	s2 =	simm.s32 @!p0 $0x1C0F  }
0xe7: {  	[timem:s3], [sflag:s2] =	dma.local @!p0 [hbm:s0], s1  }
0xe8: {  	s0 =	simm.s32 @!p0 $0xF  }
0xe9: {  	_ =	swait.ge @!p0 [sflag:s0], s1  }
0xea: {  	s1 =	ssub.s32 @!p0 $0x0, s1;
	[sflag:s0] =	ssyncset.done @!p0 $0x0  }
0xeb: {  	[sflag:s0] =	ssyncadd.s32 @!p0 s1  }
0xec: {  	[bflag:$0x3] =	sbarrier.arrive $0xFFFF  }
0xed: {  	_ =	shalt  }

</sc_bundles>
